<compile_context>
chip_gen: v7x
topology: tpu7x:2x2x1
jax: 0.10.2.dev20260603
libtpu: 0.0.44.dev20260713+nightly
codegen_flags: <defaults>
</compile_context>

<pallas_src>
import functools

import jax
import jax.numpy as jnp
from jax import lax
from jax.experimental import pallas as pl
from jax.experimental.pallas import tpu as pltpu
from jax.experimental.pallas import tpu_sc as plsc

N_NODES = 10000
K = 32
D_FEAT = 128
B = N_NODES * K
NW = 32
BPW = B // NW
CHUNK = 80
NCHUNK = BPW // CHUNK
RING = 3
LANES = 16
NSUB = 16
T_ROWS = 10112
T_PER_SUB = T_ROWS // NSUB
T_LAST = N_NODES - 15 * T_PER_SUB


def _gather_cols(features, idx):
    mesh = plsc.VectorSubcoreMesh(core_axis_name="c", subcore_axis_name="s")

    @functools.partial(
        pl.kernel,
        mesh=mesh,
        out_type=jax.ShapeDtypeStruct((N_NODES, K * D_FEAT), jnp.float32),
        compiler_params=pltpu.CompilerParams(use_tc_tiling_on_sc=True),
        scratch_types=[
            pltpu.VMEM((BPW,), jnp.int32),
        ]
        + [pltpu.VMEM((CHUNK, D_FEAT), jnp.float32) for _ in range(RING)]
        + [pltpu.SemaphoreType.DMA for _ in range(2 * RING)]
        + [pltpu.VMEM_SHARED((T_ROWS, D_FEAT), jnp.float32)],
    )
    def k(feat_hbm, idx_hbm, out_hbm, idx_v, *rest):
        bufs = rest[:RING]
        gsems = rest[RING:2 * RING]
        wsems = rest[2 * RING:3 * RING]
        shared = rest[3 * RING]
        nc = 2
        sid = lax.axis_index("s")
        wid = sid * nc + lax.axis_index("c")
        base = pl.multiple_of(wid * BPW, 8)
        col = pl.multiple_of(wid * D_FEAT, 8)

        soff = pl.multiple_of(sid * T_PER_SUB, 8)

        @pl.when(sid < NSUB - 1)
        def _():
            pltpu.sync_copy(
                feat_hbm.at[pl.ds(soff, T_PER_SUB)],
                shared.at[pl.ds(soff, T_PER_SUB)],
            )

        @pl.when(sid == NSUB - 1)
        def _():
            lo = pl.multiple_of((NSUB - 1) * T_PER_SUB, 8)
            pltpu.sync_copy(
                feat_hbm.at[pl.ds(lo, T_LAST)], shared.at[pl.ds(lo, T_LAST)]
            )
            for r in range(8):
                for cg in range(D_FEAT // LANES):
                    bufs[0][r, pl.ds(cg * LANES, LANES)] = jnp.zeros(
                        (LANES,), jnp.float32
                    )
            pltpu.sync_copy(
                bufs[0].at[pl.ds(0, 8)], shared.at[pl.ds(N_NODES, 8)]
            )

        pltpu.sync_copy(idx_hbm.at[pl.ds(base, BPW)], idx_v)
        plsc.subcore_barrier()

        def fix_rows(off):
            for i in range(CHUNK // LANES):
                o = pl.multiple_of(off + i * LANES, 8)
                v = idx_v[pl.ds(o, LANES)]
                idx_v[pl.ds(o, LANES)] = jnp.where(v < 0, N_NODES, v)

        def fire_gather(j, b):
            off = pl.multiple_of(j * CHUNK, 8)
            pltpu.async_copy(
                shared.at[idx_v.at[pl.ds(off, CHUNK)]], bufs[b], gsems[b]
            )

        def wait_gather(j, b):
            off = pl.multiple_of(j * CHUNK, 8)
            pltpu.make_async_copy(
                shared.at[idx_v.at[pl.ds(off, CHUNK)]], bufs[b], gsems[b]
            ).wait()

        def fire_write(j, b):
            off = pl.multiple_of(j * CHUNK, 8)
            pltpu.async_copy(
                bufs[b],
                out_hbm.at[pl.ds(off, CHUNK), pl.ds(col, D_FEAT)],
                wsems[b],
            )

        def wait_write(j, b):
            off = pl.multiple_of(j * CHUNK, 8)
            pltpu.make_async_copy(
                bufs[b],
                out_hbm.at[pl.ds(off, CHUNK), pl.ds(col, D_FEAT)],
                wsems[b],
            ).wait()

        def round_(g, carry):
            for b in range(RING):
                j = g * RING + b

                @pl.when(j < NCHUNK)
                def _():
                    @pl.when(j >= RING)
                    def _():
                        wait_write(j - RING, b)

                    fix_rows(j * CHUNK)
                    fire_gather(j, b)

                    @pl.when(j >= 1)
                    def _():
                        wait_gather(j - 1, (b - 1) % RING)
                        fire_write(j - 1, (b - 1) % RING)

            return carry

        lax.fori_loop(0, (NCHUNK + RING) // RING, round_, 0)

        last = NCHUNK - 1
        wait_gather(last, last % RING)
        fire_write(last, last % RING)
        for j in range(NCHUNK - RING, NCHUNK):
            wait_write(j, j % RING)

    return k(features, idx)


def kernel(features, nidx):
    idx = nidx.astype(jnp.int32).T.reshape(B)
    return _gather_cols(features, idx)

# --- scband reference (transcript-rebuilt; emitter-appended) ---
"""Pipeline reference for scband-local-cluster-reshape-from-neighbours-38285338476783 (READ-ONLY COPY).

The authoritative reference and input builder live on the scoring server;
editing this copy changes nothing except your own understanding.
"""

import jax, jax.numpy as jnp
import numpy as np

N_NODES = 10000
K = 32
D_FEAT = 128

def setup_inputs(seed: int = 0) -> dict:
    key = jax.random.key(seed)
    k1, k2 = jax.random.split(key)
    features = jax.random.normal(k1, (N_NODES, D_FEAT), dtype=jnp.float32)
    nidx = jax.random.randint(k2, (N_NODES, K), 0, N_NODES).astype(jnp.int64)
    return {"features": features, "nidx": nidx}

def reference(features, nidx):
    # Faithful JAX translation of GraphClusterReshape.raw_call
    # (core of LocalClusterReshapeFromNeighbours): gather all neighbour
    # features per cluster centre and flatten them; entries with nidx < 0
    # (missing neighbours) are zero-padded.
    nidx32 = nidx.astype(jnp.int32)
    safe_idx = jnp.where(nidx32 < 0, 0, nidx32)          # TFnidx analogue
    gfeat = jnp.take(features, safe_idx, axis=0)          # gather_nd -> [V', K, F]
    out = jnp.where(nidx32[..., None] < 0, jnp.float32(0.0), gfeat)
    out = jnp.reshape(out, (nidx32.shape[0], features.shape[1] * nidx32.shape[1]))
    return out

if __name__ == "__main__":
    import jax
    _d = setup_inputs()
    print(jax.jit(kernel)(*tuple(_d.values())))

</pallas_src>

<mosaic_0001>
#map = affine_map<(d0, d1) -> (0, 0)>
#map1 = affine_map<(d0, d1) -> (0)>
module attributes {stable_mosaic.version = 14 : i64} {
  func.func @k(%arg0: i32, %arg1: i32, %arg2: memref<10000x128xf32, #tpu.memory_space<hbm>>, %arg3: memref<320000xi32, #tpu.memory_space<hbm>>, %arg4: memref<10000x4096xf32, #tpu.memory_space<hbm>>, %arg5: memref<10000xi32, #tpu.memory_space<vmem>>, %arg6: memref<80x128xf32, #tpu.memory_space<vmem>>, %arg7: memref<80x128xf32, #tpu.memory_space<vmem>>, %arg8: memref<80x128xf32, #tpu.memory_space<vmem>>, %arg9: memref<!tpu.dma_semaphore, #tpu.memory_space<semaphore_mem>>, %arg10: memref<!tpu.dma_semaphore, #tpu.memory_space<semaphore_mem>>, %arg11: memref<!tpu.dma_semaphore, #tpu.memory_space<semaphore_mem>>, %arg12: memref<!tpu.dma_semaphore, #tpu.memory_space<semaphore_mem>>, %arg13: memref<!tpu.dma_semaphore, #tpu.memory_space<semaphore_mem>>, %arg14: memref<!tpu.dma_semaphore, #tpu.memory_space<semaphore_mem>>, %arg15: memref<10112x128xf32, #tpu.memory_space<vmem_shared>>) attributes {dimension_semantics = [#tpu.dimension_semantics<core_parallel>, #tpu.dimension_semantics<subcore_parallel>], iteration_bounds = array<i64: 2, 16>, scalar_prefetch = 0 : i64, scratch_operands = 11 : i64, tpu.core_type = #tpu.core_type<sc_vector_subcore>, window_params = [{transform_indices = #map}, {transform_indices = #map1}, {transform_indices = #map}]} {
    %mul3A = arith.constant 2 : i32
    %mul3A_0 = arith.muli %arg1, %mul3A : i32
    %add3A = arith.addi %mul3A_0, %arg0 : i32
    %mul3A_1 = arith.constant 10000 : i32
    %mul3A_2 = arith.muli %add3A, %mul3A_1 : i32
    %multiple_of3A = tpu.assume_multiple %mul3A_2, 8 : i32
    %mul3A_3 = arith.constant 128 : i32
    %mul3A_4 = arith.muli %add3A, %mul3A_3 : i32
    %multiple_of3A_5 = tpu.assume_multiple %mul3A_4, 8 : i32
    %mul3A_6 = arith.constant 632 : i32
    %mul3A_7 = arith.muli %arg1, %mul3A_6 : i32
    %multiple_of3A_8 = tpu.assume_multiple %mul3A_7, 8 : i32
    %lt3A = arith.constant 15 : i32
    %lt3A_9 = arith.cmpi slt, %arg1, %lt3A : i32
    %convert_element_type3A = arith.extui %lt3A_9 : i1 to i32
    %cond3A = arith.constant 0 : i32
    %cond3A_10 = arith.cmpi ne, %convert_element_type3A, %cond3A : i32
    scf.if %cond3A_10 {
      "tpu.region"() ({
        %run_scoped3A = tpu.sem_alloc : memref<!tpu.dma_semaphore, #tpu.memory_space<semaphore_mem>>
        %dma_start3A_40 = arith.constant 0 : i32
        %dma_start3A_41 = tpu.memref_slice %arg15[%multiple_of3A_8, %dma_start3A_40] : memref<10112x128xf32, #tpu.memory_space<vmem_shared>> -> memref<632x128xf32, #tpu.memory_space<vmem_shared>>
        %dma_start3A_42 = arith.constant 0 : i32
        %dma_start3A_43 = tpu.memref_slice %arg2[%multiple_of3A_8, %dma_start3A_42] : memref<10000x128xf32, #tpu.memory_space<hbm>> -> memref<632x128xf32, #tpu.memory_space<hbm>>
        tpu.enqueue_dma source(%dma_start3A_43 : memref<632x128xf32, #tpu.memory_space<hbm>>) target(%dma_start3A_41 : memref<632x128xf32, #tpu.memory_space<vmem_shared>>) target_semaphore(%run_scoped3A : memref<!tpu.dma_semaphore, #tpu.memory_space<semaphore_mem>>)
        %dma_wait3A_44 = arith.constant 0 : i32
        %dma_wait3A_45 = tpu.memref_slice %arg15[%multiple_of3A_8, %dma_wait3A_44] : memref<10112x128xf32, #tpu.memory_space<vmem_shared>> -> memref<632x128xf32, #tpu.memory_space<vmem_shared>>
        %dma_wait3A_46 = arith.constant 0 : i32
        %dma_wait3A_47 = tpu.memref_slice %arg2[%multiple_of3A_8, %dma_wait3A_46] : memref<10000x128xf32, #tpu.memory_space<hbm>> -> memref<632x128xf32, #tpu.memory_space<hbm>>
        tpu.wait_dma2 semaphore(%run_scoped3A : memref<!tpu.dma_semaphore, #tpu.memory_space<semaphore_mem>>) src(%dma_wait3A_47 : memref<632x128xf32, #tpu.memory_space<hbm>>) dst(%dma_wait3A_45 : memref<632x128xf32, #tpu.memory_space<vmem_shared>>)
        tpu.yield
      }) : () -> ()
    } else {
    }
    %eq3A = arith.constant 15 : i32
    %eq3A_11 = arith.cmpi eq, %arg1, %eq3A : i32
    %convert_element_type3A_12 = arith.extui %eq3A_11 : i1 to i32
    %cond3A_13 = arith.constant 0 : i32
    %cond3A_14 = arith.cmpi ne, %convert_element_type3A_12, %cond3A_13 : i32
    scf.if %cond3A_14 {
      %multiple_of3A_40 = arith.constant 9480 : i32
      %multiple_of3A_41 = tpu.assume_multiple %multiple_of3A_40, 8 : i32
      "tpu.region"() ({
        %run_scoped3A = tpu.sem_alloc : memref<!tpu.dma_semaphore, #tpu.memory_space<semaphore_mem>>
        %dma_start3A_552 = arith.constant 0 : i32
        %dma_start3A_553 = tpu.memref_slice %arg15[%multiple_of3A_41, %dma_start3A_552] : memref<10112x128xf32, #tpu.memory_space<vmem_shared>> -> memref<520x128xf32, #tpu.memory_space<vmem_shared>>
        %dma_start3A_554 = arith.constant 0 : i32
        %dma_start3A_555 = tpu.memref_slice %arg2[%multiple_of3A_41, %dma_start3A_554] : memref<10000x128xf32, #tpu.memory_space<hbm>> -> memref<520x128xf32, #tpu.memory_space<hbm>>
        tpu.enqueue_dma source(%dma_start3A_555 : memref<520x128xf32, #tpu.memory_space<hbm>>) target(%dma_start3A_553 : memref<520x128xf32, #tpu.memory_space<vmem_shared>>) target_semaphore(%run_scoped3A : memref<!tpu.dma_semaphore, #tpu.memory_space<semaphore_mem>>)
        %dma_wait3A_556 = arith.constant 0 : i32
        %dma_wait3A_557 = tpu.memref_slice %arg15[%multiple_of3A_41, %dma_wait3A_556] : memref<10112x128xf32, #tpu.memory_space<vmem_shared>> -> memref<520x128xf32, #tpu.memory_space<vmem_shared>>
        %dma_wait3A_558 = arith.constant 0 : i32
        %dma_wait3A_559 = tpu.memref_slice %arg2[%multiple_of3A_41, %dma_wait3A_558] : memref<10000x128xf32, #tpu.memory_space<hbm>> -> memref<520x128xf32, #tpu.memory_space<hbm>>
        tpu.wait_dma2 semaphore(%run_scoped3A : memref<!tpu.dma_semaphore, #tpu.memory_space<semaphore_mem>>) src(%dma_wait3A_559 : memref<520x128xf32, #tpu.memory_space<hbm>>) dst(%dma_wait3A_557 : memref<520x128xf32, #tpu.memory_space<vmem_shared>>)
        tpu.yield
      }) : () -> ()
      %broadcast_in_dim3A = arith.constant 0.000000e+00 : f32
      %broadcast_in_dim3A_42 = vector.broadcast %broadcast_in_dim3A : f32 to vector<16xf32>
      %swap3A = arith.constant 0 : i32
      %swap3A_43 = arith.index_cast %swap3A : i32 to index
      %swap3A_44 = arith.constant 0 : index
      %swap3A_45 = tpu.vector_load %arg6[%swap3A_43, %swap3A_44] {strides = array<i32>} : memref<80x128xf32, #tpu.memory_space<vmem>>, vector<1x16xf32>,
      %swap3A_46 = vector.shape_cast %swap3A_45 : vector<1x16xf32> to vector<16xf32>
      %swap3A_47 = vector.shape_cast %broadcast_in_dim3A_42 : vector<16xf32> to vector<1x16xf32>
      tpu.vector_store %arg6[%swap3A_43, %swap3A_44], %swap3A_47 {strides = array<i32>} : memref<80x128xf32, #tpu.memory_space<vmem>>, vector<1x16xf32>,
      %broadcast_in_dim3A_48 = arith.constant 0.000000e+00 : f32
      %broadcast_in_dim3A_49 = vector.broadcast %broadcast_in_dim3A_48 : f32 to vector<16xf32>
      %swap3A_50 = arith.constant 0 : i32
      %swap3A_51 = arith.index_cast %swap3A_50 : i32 to index
      %swap3A_52 = arith.constant 16 : index
      %swap3A_53 = tpu.vector_load %arg6[%swap3A_51, %swap3A_52] {strides = array<i32>} : memref<80x128xf32, #tpu.memory_space<vmem>>, vector<1x16xf32>,
      %swap3A_54 = vector.shape_cast %swap3A_53 : vector<1x16xf32> to vector<16xf32>
      %swap3A_55 = vector.shape_cast %broadcast_in_dim3A_49 : vector<16xf32> to vector<1x16xf32>
      tpu.vector_store %arg6[%swap3A_51, %swap3A_52], %swap3A_55 {strides = array<i32>} : memref<80x128xf32, #tpu.memory_space<vmem>>, vector<1x16xf32>,
      %broadcast_in_dim3A_56 = arith.constant 0.000000e+00 : f32
      %broadcast_in_dim3A_57 = vector.broadcast %broadcast_in_dim3A_56 : f32 to vector<16xf32>
      %swap3A_58 = arith.constant 0 : i32
      %swap3A_59 = arith.index_cast %swap3A_58 : i32 to index
      %swap3A_60 = arith.constant 32 : index
      %swap3A_61 = tpu.vector_load %arg6[%swap3A_59, %swap3A_60] {strides = array<i32>} : memref<80x128xf32, #tpu.memory_space<vmem>>, vector<1x16xf32>,
      %swap3A_62 = vector.shape_cast %swap3A_61 : vector<1x16xf32> to vector<16xf32>
      %swap3A_63 = vector.shape_cast %broadcast_in_dim3A_57 : vector<16xf32> to vector<1x16xf32>
      tpu.vector_store %arg6[%swap3A_59, %swap3A_60], %swap3A_63 {strides = array<i32>} : memref<80x128xf32, #tpu.memory_space<vmem>>, vector<1x16xf32>,
      %broadcast_in_dim3A_64 = arith.constant 0.000000e+00 : f32
      %broadcast_in_dim3A_65 = vector.broadcast %broadcast_in_dim3A_64 : f32 to vector<16xf32>
      %swap3A_66 = arith.constant 0 : i32
      %swap3A_67 = arith.index_cast %swap3A_66 : i32 to index
      %swap3A_68 = arith.constant 48 : index
      %swap3A_69 = tpu.vector_load %arg6[%swap3A_67, %swap3A_68] {strides = array<i32>} : memref<80x128xf32, #tpu.memory_space<vmem>>, vector<1x16xf32>,
      %swap3A_70 = vector.shape_cast %swap3A_69 : vector<1x16xf32> to vector<16xf32>
      %swap3A_71 = vector.shape_cast %broadcast_in_dim3A_65 : vector<16xf32> to vector<1x16xf32>
      tpu.vector_store %arg6[%swap3A_67, %swap3A_68], %swap3A_71 {strides = array<i32>} : memref<80x128xf32, #tpu.memory_space<vmem>>, vector<1x16xf32>,
      %broadcast_in_dim3A_72 = arith.constant 0.000000e+00 : f32
      %broadcast_in_dim3A_73 = vector.broadcast %broadcast_in_dim3A_72 : f32 to vector<16xf32>
      %swap3A_74 = arith.constant 0 : i32
      %swap3A_75 = arith.index_cast %swap3A_74 : i32 to index
      %swap3A_76 = arith.constant 64 : index
      %swap3A_77 = tpu.vector_load %arg6[%swap3A_75, %swap3A_76] {strides = array<i32>} : memref<80x128xf32, #tpu.memory_space<vmem>>, vector<1x16xf32>,
      %swap3A_78 = vector.shape_cast %swap3A_77 : vector<1x16xf32> to vector<16xf32>
      %swap3A_79 = vector.shape_cast %broadcast_in_dim3A_73 : vector<16xf32> to vector<1x16xf32>
      tpu.vector_store %arg6[%swap3A_75, %swap3A_76], %swap3A_79 {strides = array<i32>} : memref<80x128xf32, #tpu.memory_space<vmem>>, vector<1x16xf32>,
      %broadcast_in_dim3A_80 = arith.constant 0.000000e+00 : f32
      %broadcast_in_dim3A_81 = vector.broadcast %broadcast_in_dim3A_80 : f32 to vector<16xf32>
      %swap3A_82 = arith.constant 0 : i32
      %swap3A_83 = arith.index_cast %swap3A_82 : i32 to index
      %swap3A_84 = arith.constant 80 : index
      %swap3A_85 = tpu.vector_load %arg6[%swap3A_83, %swap3A_84] {strides = array<i32>} : memref<80x128xf32, #tpu.memory_space<vmem>>, vector<1x16xf32>,
      %swap3A_86 = vector.shape_cast %swap3A_85 : vector<1x16xf32> to vector<16xf32>
      %swap3A_87 = vector.shape_cast %broadcast_in_dim3A_81 : vector<16xf32> to vector<1x16xf32>
      tpu.vector_store %arg6[%swap3A_83, %swap3A_84], %swap3A_87 {strides = array<i32>} : memref<80x128xf32, #tpu.memory_space<vmem>>, vector<1x16xf32>,
      %broadcast_in_dim3A_88 = arith.constant 0.000000e+00 : f32
      %broadcast_in_dim3A_89 = vector.broadcast %broadcast_in_dim3A_88 : f32 to vector<16xf32>
      %swap3A_90 = arith.constant 0 : i32
      %swap3A_91 = arith.index_cast %swap3A_90 : i32 to index
      %swap3A_92 = arith.constant 96 : index
      %swap3A_93 = tpu.vector_load %arg6[%swap3A_91, %swap3A_92] {strides = array<i32>} : memref<80x128xf32, #tpu.memory_space<vmem>>, vector<1x16xf32>,
      %swap3A_94 = vector.shape_cast %swap3A_93 : vector<1x16xf32> to vector<16xf32>
      %swap3A_95 = vector.shape_cast %broadcast_in_dim3A_89 : vector<16xf32> to vector<1x16xf32>
      tpu.vector_store %arg6[%swap3A_91, %swap3A_92], %swap3A_95 {strides = array<i32>} : memref<80x128xf32, #tpu.memory_space<vmem>>, vector<1x16xf32>,
      %broadcast_in_dim3A_96 = arith.constant 0.000000e+00 : f32
      %broadcast_in_dim3A_97 = vector.broadcast %broadcast_in_dim3A_96 : f32 to vector<16xf32>
      %swap3A_98 = arith.constant 0 : i32
      %swap3A_99 = arith.index_cast %swap3A_98 : i32 to index
      %swap3A_100 = arith.constant 112 : index
      %swap3A_101 = tpu.vector_load %arg6[%swap3A_99, %swap3A_100] {strides = array<i32>} : memref<80x128xf32, #tpu.memory_space<vmem>>, vector<1x16xf32>,
      %swap3A_102 = vector.shape_cast %swap3A_101 : vector<1x16xf32> to vector<16xf32>
      %swap3A_103 = vector.shape_cast %broadcast_in_dim3A_97 : vector<16xf32> to vector<1x16xf32>
      tpu.vector_store %arg6[%swap3A_99, %swap3A_100], %swap3A_103 {strides = array<i32>} : memref<80x128xf32, #tpu.memory_space<vmem>>, vector<1x16xf32>,
      %broadcast_in_dim3A_104 = arith.constant 0.000000e+00 : f32
      %broadcast_in_dim3A_105 = vector.broadcast %broadcast_in_dim3A_104 : f32 to vector<16xf32>
      %swap3A_106 = arith.constant 1 : i32
      %swap3A_107 = arith.index_cast %swap3A_106 : i32 to index
      %swap3A_108 = arith.constant 0 : index
      %swap3A_109 = tpu.vector_load %arg6[%swap3A_107, %swap3A_108] {strides = array<i32>} : memref<80x128xf32, #tpu.memory_space<vmem>>, vector<1x16xf32>,
      %swap3A_110 = vector.shape_cast %swap3A_109 : vector<1x16xf32> to vector<16xf32>
      %swap3A_111 = vector.shape_cast %broadcast_in_dim3A_105 : vector<16xf32> to vector<1x16xf32>
      tpu.vector_store %arg6[%swap3A_107, %swap3A_108], %swap3A_111 {strides = array<i32>} : memref<80x128xf32, #tpu.memory_space<vmem>>, vector<1x16xf32>,
      %broadcast_in_dim3A_112 = arith.constant 0.000000e+00 : f32
      %broadcast_in_dim3A_113 = vector.broadcast %broadcast_in_dim3A_112 : f32 to vector<16xf32>
      %swap3A_114 = arith.constant 1 : i32
      %swap3A_115 = arith.index_cast %swap3A_114 : i32 to index
      %swap3A_116 = arith.constant 16 : index
      %swap3A_117 = tpu.vector_load %arg6[%swap3A_115, %swap3A_116] {strides = array<i32>} : memref<80x128xf32, #tpu.memory_space<vmem>>, vector<1x16xf32>,
      %swap3A_118 = vector.shape_cast %swap3A_117 : vector<1x16xf32> to vector<16xf32>
      %swap3A_119 = vector.shape_cast %broadcast_in_dim3A_113 : vector<16xf32> to vector<1x16xf32>
      tpu.vector_store %arg6[%swap3A_115, %swap3A_116], %swap3A_119 {strides = array<i32>} : memref<80x128xf32, #tpu.memory_space<vmem>>, vector<1x16xf32>,
      %broadcast_in_dim3A_120 = arith.constant 0.000000e+00 : f32
      %broadcast_in_dim3A_121 = vector.broadcast %broadcast_in_dim3A_120 : f32 to vector<16xf32>
      %swap3A_122 = arith.constant 1 : i32
      %swap3A_123 = arith.index_cast %swap3A_122 : i32 to index
      %swap3A_124 = arith.constant 32 : index
      %swap3A_125 = tpu.vector_load %arg6[%swap3A_123, %swap3A_124] {strides = array<i32>} : memref<80x128xf32, #tpu.memory_space<vmem>>, vector<1x16xf32>,
      %swap3A_126 = vector.shape_cast %swap3A_125 : vector<1x16xf32> to vector<16xf32>
      %swap3A_127 = vector.shape_cast %broadcast_in_dim3A_121 : vector<16xf32> to vector<1x16xf32>
      tpu.vector_store %arg6[%swap3A_123, %swap3A_124], %swap3A_127 {strides = array<i32>} : memref<80x128xf32, #tpu.memory_space<vmem>>, vector<1x16xf32>,
      %broadcast_in_dim3A_128 = arith.constant 0.000000e+00 : f32
      %broadcast_in_dim3A_129 = vector.broadcast %broadcast_in_dim3A_128 : f32 to vector<16xf32>
      %swap3A_130 = arith.constant 1 : i32
      %swap3A_131 = arith.index_cast %swap3A_130 : i32 to index
      %swap3A_132 = arith.constant 48 : index
      %swap3A_133 = tpu.vector_load %arg6[%swap3A_131, %swap3A_132] {strides = array<i32>} : memref<80x128xf32, #tpu.memory_space<vmem>>, vector<1x16xf32>,
      %swap3A_134 = vector.shape_cast %swap3A_133 : vector<1x16xf32> to vector<16xf32>
      %swap3A_135 = vector.shape_cast %broadcast_in_dim3A_129 : vector<16xf32> to vector<1x16xf32>
      tpu.vector_store %arg6[%swap3A_131, %swap3A_132], %swap3A_135 {strides = array<i32>} : memref<80x128xf32, #tpu.memory_space<vmem>>, vector<1x16xf32>,
      %broadcast_in_dim3A_136 = arith.constant 0.000000e+00 : f32
      %broadcast_in_dim3A_137 = vector.broadcast %broadcast_in_dim3A_136 : f32 to vector<16xf32>
      %swap3A_138 = arith.constant 1 : i32
      %swap3A_139 = arith.index_cast %swap3A_138 : i32 to index
      %swap3A_140 = arith.constant 64 : index
      %swap3A_141 = tpu.vector_load %arg6[%swap3A_139, %swap3A_140] {strides = array<i32>} : memref<80x128xf32, #tpu.memory_space<vmem>>, vector<1x16xf32>,
      %swap3A_142 = vector.shape_cast %swap3A_141 : vector<1x16xf32> to vector<16xf32>
      %swap3A_143 = vector.shape_cast %broadcast_in_dim3A_137 : vector<16xf32> to vector<1x16xf32>
      tpu.vector_store %arg6[%swap3A_139, %swap3A_140], %swap3A_143 {strides = array<i32>} : memref<80x128xf32, #tpu.memory_space<vmem>>, vector<1x16xf32>,
      %broadcast_in_dim3A_144 = arith.constant 0.000000e+00 : f32
      %broadcast_in_dim3A_145 = vector.broadcast %broadcast_in_dim3A_144 : f32 to vector<16xf32>
      %swap3A_146 = arith.constant 1 : i32
      %swap3A_147 = arith.index_cast %swap3A_146 : i32 to index
      %swap3A_148 = arith.constant 80 : index
      %swap3A_149 = tpu.vector_load %arg6[%swap3A_147, %swap3A_148] {strides = array<i32>} : memref<80x128xf32, #tpu.memory_space<vmem>>, vector<1x16xf32>,
      %swap3A_150 = vector.shape_cast %swap3A_149 : vector<1x16xf32> to vector<16xf32>
      %swap3A_151 = vector.shape_cast %broadcast_in_dim3A_145 : vector<16xf32> to vector<1x16xf32>
      tpu.vector_store %arg6[%swap3A_147, %swap3A_148], %swap3A_151 {strides = array<i32>} : memref<80x128xf32, #tpu.memory_space<vmem>>, vector<1x16xf32>,
      %broadcast_in_dim3A_152 = arith.constant 0.000000e+00 : f32
      %broadcast_in_dim3A_153 = vector.broadcast %broadcast_in_dim3A_152 : f32 to vector<16xf32>
      %swap3A_154 = arith.constant 1 : i32
      %swap3A_155 = arith.index_cast %swap3A_154 : i32 to index
      %swap3A_156 = arith.constant 96 : index
      %swap3A_157 = tpu.vector_load %arg6[%swap3A_155, %swap3A_156] {strides = array<i32>} : memref<80x128xf32, #tpu.memory_space<vmem>>, vector<1x16xf32>,
      %swap3A_158 = vector.shape_cast %swap3A_157 : vector<1x16xf32> to vector<16xf32>
      %swap3A_159 = vector.shape_cast %broadcast_in_dim3A_153 : vector<16xf32> to vector<1x16xf32>
      tpu.vector_store %arg6[%swap3A_155, %swap3A_156], %swap3A_159 {strides = array<i32>} : memref<80x128xf32, #tpu.memory_space<vmem>>, vector<1x16xf32>,
      %broadcast_in_dim3A_160 = arith.constant 0.000000e+00 : f32
      %broadcast_in_dim3A_161 = vector.broadcast %broadcast_in_dim3A_160 : f32 to vector<16xf32>
      %swap3A_162 = arith.constant 1 : i32
      %swap3A_163 = arith.index_cast %swap3A_162 : i32 to index
      %swap3A_164 = arith.constant 112 : index
      %swap3A_165 = tpu.vector_load %arg6[%swap3A_163, %swap3A_164] {strides = array<i32>} : memref<80x128xf32, #tpu.memory_space<vmem>>, vector<1x16xf32>,
      %swap3A_166 = vector.shape_cast %swap3A_165 : vector<1x16xf32> to vector<16xf32>
      %swap3A_167 = vector.shape_cast %broadcast_in_dim3A_161 : vector<16xf32> to vector<1x16xf32>
      tpu.vector_store %arg6[%swap3A_163, %swap3A_164], %swap3A_167 {strides = array<i32>} : memref<80x128xf32, #tpu.memory_space<vmem>>, vector<1x16xf32>,
      %broadcast_in_dim3A_168 = arith.constant 0.000000e+00 : f32
      %broadcast_in_dim3A_169 = vector.broadcast %broadcast_in_dim3A_168 : f32 to vector<16xf32>
      %swap3A_170 = arith.constant 2 : i32
      %swap3A_171 = arith.index_cast %swap3A_170 : i32 to index
      %swap3A_172 = arith.constant 0 : index
      %swap3A_173 = tpu.vector_load %arg6[%swap3A_171, %swap3A_172] {strides = array<i32>} : memref<80x128xf32, #tpu.memory_space<vmem>>, vector<1x16xf32>,
      %swap3A_174 = vector.shape_cast %swap3A_173 : vector<1x16xf32> to vector<16xf32>
      %swap3A_175 = vector.shape_cast %broadcast_in_dim3A_169 : vector<16xf32> to vector<1x16xf32>
      tpu.vector_store %arg6[%swap3A_171, %swap3A_172], %swap3A_175 {strides = array<i32>} : memref<80x128xf32, #tpu.memory_space<vmem>>, vector<1x16xf32>,
      %broadcast_in_dim3A_176 = arith.constant 0.000000e+00 : f32
      %broadcast_in_dim3A_177 = vector.broadcast %broadcast_in_dim3A_176 : f32 to vector<16xf32>
      %swap3A_178 = arith.constant 2 : i32
      %swap3A_179 = arith.index_cast %swap3A_178 : i32 to index
      %swap3A_180 = arith.constant 16 : index
      %swap3A_181 = tpu.vector_load %arg6[%swap3A_179, %swap3A_180] {strides = array<i32>} : memref<80x128xf32, #tpu.memory_space<vmem>>, vector<1x16xf32>,
      %swap3A_182 = vector.shape_cast %swap3A_181 : vector<1x16xf32> to vector<16xf32>
      %swap3A_183 = vector.shape_cast %broadcast_in_dim3A_177 : vector<16xf32> to vector<1x16xf32>
      tpu.vector_store %arg6[%swap3A_179, %swap3A_180], %swap3A_183 {strides = array<i32>} : memref<80x128xf32, #tpu.memory_space<vmem>>, vector<1x16xf32>,
      %broadcast_in_dim3A_184 = arith.constant 0.000000e+00 : f32
      %broadcast_in_dim3A_185 = vector.broadcast %broadcast_in_dim3A_184 : f32 to vector<16xf32>
      %swap3A_186 = arith.constant 2 : i32
      %swap3A_187 = arith.index_cast %swap3A_186 : i32 to index
      %swap3A_188 = arith.constant 32 : index
      %swap3A_189 = tpu.vector_load %arg6[%swap3A_187, %swap3A_188] {strides = array<i32>} : memref<80x128xf32, #tpu.memory_space<vmem>>, vector<1x16xf32>,
      %swap3A_190 = vector.shape_cast %swap3A_189 : vector<1x16xf32> to vector<16xf32>
      %swap3A_191 = vector.shape_cast %broadcast_in_dim3A_185 : vector<16xf32> to vector<1x16xf32>
      tpu.vector_store %arg6[%swap3A_187, %swap3A_188], %swap3A_191 {strides = array<i32>} : memref<80x128xf32, #tpu.memory_space<vmem>>, vector<1x16xf32>,
      %broadcast_in_dim3A_192 = arith.constant 0.000000e+00 : f32
      %broadcast_in_dim3A_193 = vector.broadcast %broadcast_in_dim3A_192 : f32 to vector<16xf32>
      %swap3A_194 = arith.constant 2 : i32
      %swap3A_195 = arith.index_cast %swap3A_194 : i32 to index
      %swap3A_196 = arith.constant 48 : index
      %swap3A_197 = tpu.vector_load %arg6[%swap3A_195, %swap3A_196] {strides = array<i32>} : memref<80x128xf32, #tpu.memory_space<vmem>>, vector<1x16xf32>,
      %swap3A_198 = vector.shape_cast %swap3A_197 : vector<1x16xf32> to vector<16xf32>
      %swap3A_199 = vector.shape_cast %broadcast_in_dim3A_193 : vector<16xf32> to vector<1x16xf32>
      tpu.vector_store %arg6[%swap3A_195, %swap3A_196], %swap3A_199 {strides = array<i32>} : memref<80x128xf32, #tpu.memory_space<vmem>>, vector<1x16xf32>,
      %broadcast_in_dim3A_200 = arith.constant 0.000000e+00 : f32
      %broadcast_in_dim3A_201 = vector.broadcast %broadcast_in_dim3A_200 : f32 to vector<16xf32>
      %swap3A_202 = arith.constant 2 : i32
      %swap3A_203 = arith.index_cast %swap3A_202 : i32 to index
      %swap3A_204 = arith.constant 64 : index
      %swap3A_205 = tpu.vector_load %arg6[%swap3A_203, %swap3A_204] {strides = array<i32>} : memref<80x128xf32, #tpu.memory_space<vmem>>, vector<1x16xf32>,
      %swap3A_206 = vector.shape_cast %swap3A_205 : vector<1x16xf32> to vector<16xf32>
      %swap3A_207 = vector.shape_cast %broadcast_in_dim3A_201 : vector<16xf32> to vector<1x16xf32>
      tpu.vector_store %arg6[%swap3A_203, %swap3A_204], %swap3A_207 {strides = array<i32>} : memref<80x128xf32, #tpu.memory_space<vmem>>, vector<1x16xf32>,
      %broadcast_in_dim3A_208 = arith.constant 0.000000e+00 : f32
      %broadcast_in_dim3A_209 = vector.broadcast %broadcast_in_dim3A_208 : f32 to vector<16xf32>
      %swap3A_210 = arith.constant 2 : i32
      %swap3A_211 = arith.index_cast %swap3A_210 : i32 to index
      %swap3A_212 = arith.constant 80 : index
      %swap3A_213 = tpu.vector_load %arg6[%swap3A_211, %swap3A_212] {strides = array<i32>} : memref<80x128xf32, #tpu.memory_space<vmem>>, vector<1x16xf32>,
      %swap3A_214 = vector.shape_cast %swap3A_213 : vector<1x16xf32> to vector<16xf32>
      %swap3A_215 = vector.shape_cast %broadcast_in_dim3A_209 : vector<16xf32> to vector<1x16xf32>
      tpu.vector_store %arg6[%swap3A_211, %swap3A_212], %swap3A_215 {strides = array<i32>} : memref<80x128xf32, #tpu.memory_space<vmem>>, vector<1x16xf32>,
      %broadcast_in_dim3A_216 = arith.constant 0.000000e+00 : f32
      %broadcast_in_dim3A_217 = vector.broadcast %broadcast_in_dim3A_216 : f32 to vector<16xf32>
      %swap3A_218 = arith.constant 2 : i32
      %swap3A_219 = arith.index_cast %swap3A_218 : i32 to index
      %swap3A_220 = arith.constant 96 : index
      %swap3A_221 = tpu.vector_load %arg6[%swap3A_219, %swap3A_220] {strides = array<i32>} : memref<80x128xf32, #tpu.memory_space<vmem>>, vector<1x16xf32>,
      %swap3A_222 = vector.shape_cast %swap3A_221 : vector<1x16xf32> to vector<16xf32>
      %swap3A_223 = vector.shape_cast %broadcast_in_dim3A_217 : vector<16xf32> to vector<1x16xf32>
      tpu.vector_store %arg6[%swap3A_219, %swap3A_220], %swap3A_223 {strides = array<i32>} : memref<80x128xf32, #tpu.memory_space<vmem>>, vector<1x16xf32>,
      %broadcast_in_dim3A_224 = arith.constant 0.000000e+00 : f32
      %broadcast_in_dim3A_225 = vector.broadcast %broadcast_in_dim3A_224 : f32 to vector<16xf32>
      %swap3A_226 = arith.constant 2 : i32
      %swap3A_227 = arith.index_cast %swap3A_226 : i32 to index
      %swap3A_228 = arith.constant 112 : index
      %swap3A_229 = tpu.vector_load %arg6[%swap3A_227, %swap3A_228] {strides = array<i32>} : memref<80x128xf32, #tpu.memory_space<vmem>>, vector<1x16xf32>,
      %swap3A_230 = vector.shape_cast %swap3A_229 : vector<1x16xf32> to vector<16xf32>
      %swap3A_231 = vector.shape_cast %broadcast_in_dim3A_225 : vector<16xf32> to vector<1x16xf32>
      tpu.vector_store %arg6[%swap3A_227, %swap3A_228], %swap3A_231 {strides = array<i32>} : memref<80x128xf32, #tpu.memory_space<vmem>>, vector<1x16xf32>,
      %broadcast_in_dim3A_232 = arith.constant 0.000000e+00 : f32
      %broadcast_in_dim3A_233 = vector.broadcast %broadcast_in_dim3A_232 : f32 to vector<16xf32>
      %swap3A_234 = arith.constant 3 : i32
      %swap3A_235 = arith.index_cast %swap3A_234 : i32 to index
      %swap3A_236 = arith.constant 0 : index
      %swap3A_237 = tpu.vector_load %arg6[%swap3A_235, %swap3A_236] {strides = array<i32>} : memref<80x128xf32, #tpu.memory_space<vmem>>, vector<1x16xf32>,
      %swap3A_238 = vector.shape_cast %swap3A_237 : vector<1x16xf32> to vector<16xf32>
      %swap3A_239 = vector.shape_cast %broadcast_in_dim3A_233 : vector<16xf32> to vector<1x16xf32>
      tpu.vector_store %arg6[%swap3A_235, %swap3A_236], %swap3A_239 {strides = array<i32>} : memref<80x128xf32, #tpu.memory_space<vmem>>, vector<1x16xf32>,
      %broadcast_in_dim3A_240 = arith.constant 0.000000e+00 : f32
      %broadcast_in_dim3A_241 = vector.broadcast %broadcast_in_dim3A_240 : f32 to vector<16xf32>
      %swap3A_242 = arith.constant 3 : i32
      %swap3A_243 = arith.index_cast %swap3A_242 : i32 to index
      %swap3A_244 = arith.constant 16 : index
      %swap3A_245 = tpu.vector_load %arg6[%swap3A_243, %swap3A_244] {strides = array<i32>} : memref<80x128xf32, #tpu.memory_space<vmem>>, vector<1x16xf32>,
      %swap3A_246 = vector.shape_cast %swap3A_245 : vector<1x16xf32> to vector<16xf32>
      %swap3A_247 = vector.shape_cast %broadcast_in_dim3A_241 : vector<16xf32> to vector<1x16xf32>
      tpu.vector_store %arg6[%swap3A_243, %swap3A_244], %swap3A_247 {strides = array<i32>} : memref<80x128xf32, #tpu.memory_space<vmem>>, vector<1x16xf32>,
      %broadcast_in_dim3A_248 = arith.constant 0.000000e+00 : f32
      %broadcast_in_dim3A_249 = vector.broadcast %broadcast_in_dim3A_248 : f32 to vector<16xf32>
      %swap3A_250 = arith.constant 3 : i32
      %swap3A_251 = arith.index_cast %swap3A_250 : i32 to index
      %swap3A_252 = arith.constant 32 : index
      %swap3A_253 = tpu.vector_load %arg6[%swap3A_251, %swap3A_252] {strides = array<i32>} : memref<80x128xf32, #tpu.memory_space<vmem>>, vector<1x16xf32>,
      %swap3A_254 = vector.shape_cast %swap3A_253 : vector<1x16xf32> to vector<16xf32>
      %swap3A_255 = vector.shape_cast %broadcast_in_dim3A_249 : vector<16xf32> to vector<1x16xf32>
      tpu.vector_store %arg6[%swap3A_251, %swap3A_252], %swap3A_255 {strides = array<i32>} : memref<80x128xf32, #tpu.memory_space<vmem>>, vector<1x16xf32>,
      %broadcast_in_dim3A_256 = arith.constant 0.000000e+00 : f32
      %broadcast_in_dim3A_257 = vector.broadcast %broadcast_in_dim3A_256 : f32 to vector<16xf32>
      %swap3A_258 = arith.constant 3 : i32
      %swap3A_259 = arith.index_cast %swap3A_258 : i32 to index
      %swap3A_260 = arith.constant 48 : index
      %swap3A_261 = tpu.vector_load %arg6[%swap3A_259, %swap3A_260] {strides = array<i32>} : memref<80x128xf32, #tpu.memory_space<vmem>>, vector<1x16xf32>,
      %swap3A_262 = vector.shape_cast %swap3A_261 : vector<1x16xf32> to vector<16xf32>
      %swap3A_263 = vector.shape_cast %broadcast_in_dim3A_257 : vector<16xf32> to vector<1x16xf32>
      tpu.vector_store %arg6[%swap3A_259, %swap3A_260], %swap3A_263 {strides = array<i32>} : memref<80x128xf32, #tpu.memory_space<vmem>>, vector<1x16xf32>,
      %broadcast_in_dim3A_264 = arith.constant 0.000000e+00 : f32
      %broadcast_in_dim3A_265 = vector.broadcast %broadcast_in_dim3A_264 : f32 to vector<16xf32>
      %swap3A_266 = arith.constant 3 : i32
      %swap3A_267 = arith.index_cast %swap3A_266 : i32 to index
      %swap3A_268 = arith.constant 64 : index
      %swap3A_269 = tpu.vector_load %arg6[%swap3A_267, %swap3A_268] {strides = array<i32>} : memref<80x128xf32, #tpu.memory_space<vmem>>, vector<1x16xf32>,
      %swap3A_270 = vector.shape_cast %swap3A_269 : vector<1x16xf32> to vector<16xf32>
      %swap3A_271 = vector.shape_cast %broadcast_in_dim3A_265 : vector<16xf32> to vector<1x16xf32>
      tpu.vector_store %arg6[%swap3A_267, %swap3A_268], %swap3A_271 {strides = array<i32>} : memref<80x128xf32, #tpu.memory_space<vmem>>, vector<1x16xf32>,
      %broadcast_in_dim3A_272 = arith.constant 0.000000e+00 : f32
      %broadcast_in_dim3A_273 = vector.broadcast %broadcast_in_dim3A_272 : f32 to vector<16xf32>
      %swap3A_274 = arith.constant 3 : i32
      %swap3A_275 = arith.index_cast %swap3A_274 : i32 to index
      %swap3A_276 = arith.constant 80 : index
      %swap3A_277 = tpu.vector_load %arg6[%swap3A_275, %swap3A_276] {strides = array<i32>} : memref<80x128xf32, #tpu.memory_space<vmem>>, vector<1x16xf32>,
      %swap3A_278 = vector.shape_cast %swap3A_277 : vector<1x16xf32> to vector<16xf32>
      %swap3A_279 = vector.shape_cast %broadcast_in_dim3A_273 : vector<16xf32> to vector<1x16xf32>
      tpu.vector_store %arg6[%swap3A_275, %swap3A_276], %swap3A_279 {strides = array<i32>} : memref<80x128xf32, #tpu.memory_space<vmem>>, vector<1x16xf32>,
      %broadcast_in_dim3A_280 = arith.constant 0.000000e+00 : f32
      %broadcast_in_dim3A_281 = vector.broadcast %broadcast_in_dim3A_280 : f32 to vector<16xf32>
      %swap3A_282 = arith.constant 3 : i32
      %swap3A_283 = arith.index_cast %swap3A_282 : i32 to index
      %swap3A_284 = arith.constant 96 : index
      %swap3A_285 = tpu.vector_load %arg6[%swap3A_283, %swap3A_284] {strides = array<i32>} : memref<80x128xf32, #tpu.memory_space<vmem>>, vector<1x16xf32>,
      %swap3A_286 = vector.shape_cast %swap3A_285 : vector<1x16xf32> to vector<16xf32>
      %swap3A_287 = vector.shape_cast %broadcast_in_dim3A_281 : vector<16xf32> to vector<1x16xf32>
      tpu.vector_store %arg6[%swap3A_283, %swap3A_284], %swap3A_287 {strides = array<i32>} : memref<80x128xf32, #tpu.memory_space<vmem>>, vector<1x16xf32>,
      %broadcast_in_dim3A_288 = arith.constant 0.000000e+00 : f32
      %broadcast_in_dim3A_289 = vector.broadcast %broadcast_in_dim3A_288 : f32 to vector<16xf32>
      %swap3A_290 = arith.constant 3 : i32
      %swap3A_291 = arith.index_cast %swap3A_290 : i32 to index
      %swap3A_292 = arith.constant 112 : index
      %swap3A_293 = tpu.vector_load %arg6[%swap3A_291, %swap3A_292] {strides = array<i32>} : memref<80x128xf32, #tpu.memory_space<vmem>>, vector<1x16xf32>,
      %swap3A_294 = vector.shape_cast %swap3A_293 : vector<1x16xf32> to vector<16xf32>
      %swap3A_295 = vector.shape_cast %broadcast_in_dim3A_289 : vector<16xf32> to vector<1x16xf32>
      tpu.vector_store %arg6[%swap3A_291, %swap3A_292], %swap3A_295 {strides = array<i32>} : memref<80x128xf32, #tpu.memory_space<vmem>>, vector<1x16xf32>,
      %broadcast_in_dim3A_296 = arith.constant 0.000000e+00 : f32
      %broadcast_in_dim3A_297 = vector.broadcast %broadcast_in_dim3A_296 : f32 to vector<16xf32>
      %swap3A_298 = arith.constant 4 : i32
      %swap3A_299 = arith.index_cast %swap3A_298 : i32 to index
      %swap3A_300 = arith.constant 0 : index
      %swap3A_301 = tpu.vector_load %arg6[%swap3A_299, %swap3A_300] {strides = array<i32>} : memref<80x128xf32, #tpu.memory_space<vmem>>, vector<1x16xf32>,
      %swap3A_302 = vector.shape_cast %swap3A_301 : vector<1x16xf32> to vector<16xf32>
      %swap3A_303 = vector.shape_cast %broadcast_in_dim3A_297 : vector<16xf32> to vector<1x16xf32>
      tpu.vector_store %arg6[%swap3A_299, %swap3A_300], %swap3A_303 {strides = array<i32>} : memref<80x128xf32, #tpu.memory_space<vmem>>, vector<1x16xf32>,
      %broadcast_in_dim3A_304 = arith.constant 0.000000e+00 : f32
      %broadcast_in_dim3A_305 = vector.broadcast %broadcast_in_dim3A_304 : f32 to vector<16xf32>
      %swap3A_306 = arith.constant 4 : i32
      %swap3A_307 = arith.index_cast %swap3A_306 : i32 to index
      %swap3A_308 = arith.constant 16 : index
      %swap3A_309 = tpu.vector_load %arg6[%swap3A_307, %swap3A_308] {strides = array<i32>} : memref<80x128xf32, #tpu.memory_space<vmem>>, vector<1x16xf32>,
      %swap3A_310 = vector.shape_cast %swap3A_309 : vector<1x16xf32> to vector<16xf32>
      %swap3A_311 = vector.shape_cast %broadcast_in_dim3A_305 : vector<16xf32> to vector<1x16xf32>
      tpu.vector_store %arg6[%swap3A_307, %swap3A_308], %swap3A_311 {strides = array<i32>} : memref<80x128xf32, #tpu.memory_space<vmem>>, vector<1x16xf32>,
      %broadcast_in_dim3A_312 = arith.constant 0.000000e+00 : f32
      %broadcast_in_dim3A_313 = vector.broadcast %broadcast_in_dim3A_312 : f32 to vector<16xf32>
      %swap3A_314 = arith.constant 4 : i32
      %swap3A_315 = arith.index_cast %swap3A_314 : i32 to index
      %swap3A_316 = arith.constant 32 : index
      %swap3A_317 = tpu.vector_load %arg6[%swap3A_315, %swap3A_316] {strides = array<i32>} : memref<80x128xf32, #tpu.memory_space<vmem>>, vector<1x16xf32>,
      %swap3A_318 = vector.shape_cast %swap3A_317 : vector<1x16xf32> to vector<16xf32>
      %swap3A_319 = vector.shape_cast %broadcast_in_dim3A_313 : vector<16xf32> to vector<1x16xf32>
      tpu.vector_store %arg6[%swap3A_315, %swap3A_316], %swap3A_319 {strides = array<i32>} : memref<80x128xf32, #tpu.memory_space<vmem>>, vector<1x16xf32>,
      %broadcast_in_dim3A_320 = arith.constant 0.000000e+00 : f32
      %broadcast_in_dim3A_321 = vector.broadcast %broadcast_in_dim3A_320 : f32 to vector<16xf32>
      %swap3A_322 = arith.constant 4 : i32
      %swap3A_323 = arith.index_cast %swap3A_322 : i32 to index
      %swap3A_324 = arith.constant 48 : index
      %swap3A_325 = tpu.vector_load %arg6[%swap3A_323, %swap3A_324] {strides = array<i32>} : memref<80x128xf32, #tpu.memory_space<vmem>>, vector<1x16xf32>,
      %swap3A_326 = vector.shape_cast %swap3A_325 : vector<1x16xf32> to vector<16xf32>
      %swap3A_327 = vector.shape_cast %broadcast_in_dim3A_321 : vector<16xf32> to vector<1x16xf32>
      tpu.vector_store %arg6[%swap3A_323, %swap3A_324], %swap3A_327 {strides = array<i32>} : memref<80x128xf32, #tpu.memory_space<vmem>>, vector<1x16xf32>,
      %broadcast_in_dim3A_328 = arith.constant 0.000000e+00 : f32
      %broadcast_in_dim3A_329 = vector.broadcast %broadcast_in_dim3A_328 : f32 to vector<16xf32>
      %swap3A_330 = arith.constant 4 : i32
      %swap3A_331 = arith.index_cast %swap3A_330 : i32 to index
      %swap3A_332 = arith.constant 64 : index
      %swap3A_333 = tpu.vector_load %arg6[%swap3A_331, %swap3A_332] {strides = array<i32>} : memref<80x128xf32, #tpu.memory_space<vmem>>, vector<1x16xf32>,
      %swap3A_334 = vector.shape_cast %swap3A_333 : vector<1x16xf32> to vector<16xf32>
      %swap3A_335 = vector.shape_cast %broadcast_in_dim3A_329 : vector<16xf32> to vector<1x16xf32>
      tpu.vector_store %arg6[%swap3A_331, %swap3A_332], %swap3A_335 {strides = array<i32>} : memref<80x128xf32, #tpu.memory_space<vmem>>, vector<1x16xf32>,
      %broadcast_in_dim3A_336 = arith.constant 0.000000e+00 : f32
      %broadcast_in_dim3A_337 = vector.broadcast %broadcast_in_dim3A_336 : f32 to vector<16xf32>
      %swap3A_338 = arith.constant 4 : i32
      %swap3A_339 = arith.index_cast %swap3A_338 : i32 to index
      %swap3A_340 = arith.constant 80 : index
      %swap3A_341 = tpu.vector_load %arg6[%swap3A_339, %swap3A_340] {strides = array<i32>} : memref<80x128xf32, #tpu.memory_space<vmem>>, vector<1x16xf32>,
      %swap3A_342 = vector.shape_cast %swap3A_341 : vector<1x16xf32> to vector<16xf32>
      %swap3A_343 = vector.shape_cast %broadcast_in_dim3A_337 : vector<16xf32> to vector<1x16xf32>
      tpu.vector_store %arg6[%swap3A_339, %swap3A_340], %swap3A_343 {strides = array<i32>} : memref<80x128xf32, #tpu.memory_space<vmem>>, vector<1x16xf32>,
      %broadcast_in_dim3A_344 = arith.constant 0.000000e+00 : f32
      %broadcast_in_dim3A_345 = vector.broadcast %broadcast_in_dim3A_344 : f32 to vector<16xf32>
      %swap3A_346 = arith.constant 4 : i32
      %swap3A_347 = arith.index_cast %swap3A_346 : i32 to index
      %swap3A_348 = arith.constant 96 : index
      %swap3A_349 = tpu.vector_load %arg6[%swap3A_347, %swap3A_348] {strides = array<i32>} : memref<80x128xf32, #tpu.memory_space<vmem>>, vector<1x16xf32>,
      %swap3A_350 = vector.shape_cast %swap3A_349 : vector<1x16xf32> to vector<16xf32>
      %swap3A_351 = vector.shape_cast %broadcast_in_dim3A_345 : vector<16xf32> to vector<1x16xf32>
      tpu.vector_store %arg6[%swap3A_347, %swap3A_348], %swap3A_351 {strides = array<i32>} : memref<80x128xf32, #tpu.memory_space<vmem>>, vector<1x16xf32>,
      %broadcast_in_dim3A_352 = arith.constant 0.000000e+00 : f32
      %broadcast_in_dim3A_353 = vector.broadcast %broadcast_in_dim3A_352 : f32 to vector<16xf32>
      %swap3A_354 = arith.constant 4 : i32
      %swap3A_355 = arith.index_cast %swap3A_354 : i32 to index
      %swap3A_356 = arith.constant 112 : index
      %swap3A_357 = tpu.vector_load %arg6[%swap3A_355, %swap3A_356] {strides = array<i32>} : memref<80x128xf32, #tpu.memory_space<vmem>>, vector<1x16xf32>,
      %swap3A_358 = vector.shape_cast %swap3A_357 : vector<1x16xf32> to vector<16xf32>
      %swap3A_359 = vector.shape_cast %broadcast_in_dim3A_353 : vector<16xf32> to vector<1x16xf32>
      tpu.vector_store %arg6[%swap3A_355, %swap3A_356], %swap3A_359 {strides = array<i32>} : memref<80x128xf32, #tpu.memory_space<vmem>>, vector<1x16xf32>,
      %broadcast_in_dim3A_360 = arith.constant 0.000000e+00 : f32
      %broadcast_in_dim3A_361 = vector.broadcast %broadcast_in_dim3A_360 : f32 to vector<16xf32>
      %swap3A_362 = arith.constant 5 : i32
      %swap3A_363 = arith.index_cast %swap3A_362 : i32 to index
      %swap3A_364 = arith.constant 0 : index
      %swap3A_365 = tpu.vector_load %arg6[%swap3A_363, %swap3A_364] {strides = array<i32>} : memref<80x128xf32, #tpu.memory_space<vmem>>, vector<1x16xf32>,
      %swap3A_366 = vector.shape_cast %swap3A_365 : vector<1x16xf32> to vector<16xf32>
      %swap3A_367 = vector.shape_cast %broadcast_in_dim3A_361 : vector<16xf32> to vector<1x16xf32>
      tpu.vector_store %arg6[%swap3A_363, %swap3A_364], %swap3A_367 {strides = array<i32>} : memref<80x128xf32, #tpu.memory_space<vmem>>, vector<1x16xf32>,
      %broadcast_in_dim3A_368 = arith.constant 0.000000e+00 : f32
      %broadcast_in_dim3A_369 = vector.broadcast %broadcast_in_dim3A_368 : f32 to vector<16xf32>
      %swap3A_370 = arith.constant 5 : i32
      %swap3A_371 = arith.index_cast %swap3A_370 : i32 to index
      %swap3A_372 = arith.constant 16 : index
      %swap3A_373 = tpu.vector_load %arg6[%swap3A_371, %swap3A_372] {strides = array<i32>} : memref<80x128xf32, #tpu.memory_space<vmem>>, vector<1x16xf32>,
      %swap3A_374 = vector.shape_cast %swap3A_373 : vector<1x16xf32> to vector<16xf32>
      %swap3A_375 = vector.shape_cast %broadcast_in_dim3A_369 : vector<16xf32> to vector<1x16xf32>
      tpu.vector_store %arg6[%swap3A_371, %swap3A_372], %swap3A_375 {strides = array<i32>} : memref<80x128xf32, #tpu.memory_space<vmem>>, vector<1x16xf32>,
      %broadcast_in_dim3A_376 = arith.constant 0.000000e+00 : f32
      %broadcast_in_dim3A_377 = vector.broadcast %broadcast_in_dim3A_376 : f32 to vector<16xf32>
      %swap3A_378 = arith.constant 5 : i32
      %swap3A_379 = arith.index_cast %swap3A_378 : i32 to index
      %swap3A_380 = arith.constant 32 : index
      %swap3A_381 = tpu.vector_load %arg6[%swap3A_379, %swap3A_380] {strides = array<i32>} : memref<80x128xf32, #tpu.memory_space<vmem>>, vector<1x16xf32>,
      %swap3A_382 = vector.shape_cast %swap3A_381 : vector<1x16xf32> to vector<16xf32>
      %swap3A_383 = vector.shape_cast %broadcast_in_dim3A_377 : vector<16xf32> to vector<1x16xf32>
      tpu.vector_store %arg6[%swap3A_379, %swap3A_380], %swap3A_383 {strides = array<i32>} : memref<80x128xf32, #tpu.memory_space<vmem>>, vector<1x16xf32>,
      %broadcast_in_dim3A_384 = arith.constant 0.000000e+00 : f32
      %broadcast_in_dim3A_385 = vector.broadcast %broadcast_in_dim3A_384 : f32 to vector<16xf32>
      %swap3A_386 = arith.constant 5 : i32
      %swap3A_387 = arith.index_cast %swap3A_386 : i32 to index
      %swap3A_388 = arith.constant 48 : index
      %swap3A_389 = tpu.vector_load %arg6[%swap3A_387, %swap3A_388] {strides = array<i32>} : memref<80x128xf32, #tpu.memory_space<vmem>>, vector<1x16xf32>,
      %swap3A_390 = vector.shape_cast %swap3A_389 : vector<1x16xf32> to vector<16xf32>
      %swap3A_391 = vector.shape_cast %broadcast_in_dim3A_385 : vector<16xf32> to vector<1x16xf32>
      tpu.vector_store %arg6[%swap3A_387, %swap3A_388], %swap3A_391 {strides = array<i32>} : memref<80x128xf32, #tpu.memory_space<vmem>>, vector<1x16xf32>,
      %broadcast_in_dim3A_392 = arith.constant 0.000000e+00 : f32
      %broadcast_in_dim3A_393 = vector.broadcast %broadcast_in_dim3A_392 : f32 to vector<16xf32>
      %swap3A_394 = arith.constant 5 : i32
      %swap3A_395 = arith.index_cast %swap3A_394 : i32 to index
      %swap3A_396 = arith.constant 64 : index
      %swap3A_397 = tpu.vector_load %arg6[%swap3A_395, %swap3A_396] {strides = array<i32>} : memref<80x128xf32, #tpu.memory_space<vmem>>, vector<1x16xf32>,
      %swap3A_398 = vector.shape_cast %swap3A_397 : vector<1x16xf32> to vector<16xf32>
      %swap3A_399 = vector.shape_cast %broadcast_in_dim3A_393 : vector<16xf32> to vector<1x16xf32>
      tpu.vector_store %arg6[%swap3A_395, %swap3A_396], %swap3A_399 {strides = array<i32>} : memref<80x128xf32, #tpu.memory_space<vmem>>, vector<1x16xf32>,
      %broadcast_in_dim3A_400 = arith.constant 0.000000e+00 : f32
      %broadcast_in_dim3A_401 = vector.broadcast %broadcast_in_dim3A_400 : f32 to vector<16xf32>
      %swap3A_402 = arith.constant 5 : i32
      %swap3A_403 = arith.index_cast %swap3A_402 : i32 to index
      %swap3A_404 = arith.constant 80 : index
      %swap3A_405 = tpu.vector_load %arg6[%swap3A_403, %swap3A_404] {strides = array<i32>} : memref<80x128xf32, #tpu.memory_space<vmem>>, vector<1x16xf32>,
      %swap3A_406 = vector.shape_cast %swap3A_405 : vector<1x16xf32> to vector<16xf32>
      %swap3A_407 = vector.shape_cast %broadcast_in_dim3A_401 : vector<16xf32> to vector<1x16xf32>
      tpu.vector_store %arg6[%swap3A_403, %swap3A_404], %swap3A_407 {strides = array<i32>} : memref<80x128xf32, #tpu.memory_space<vmem>>, vector<1x16xf32>,
      %broadcast_in_dim3A_408 = arith.constant 0.000000e+00 : f32
      %broadcast_in_dim3A_409 = vector.broadcast %broadcast_in_dim3A_408 : f32 to vector<16xf32>
      %swap3A_410 = arith.constant 5 : i32
      %swap3A_411 = arith.index_cast %swap3A_410 : i32 to index
      %swap3A_412 = arith.constant 96 : index
      %swap3A_413 = tpu.vector_load %arg6[%swap3A_411, %swap3A_412] {strides = array<i32>} : memref<80x128xf32, #tpu.memory_space<vmem>>, vector<1x16xf32>,
      %swap3A_414 = vector.shape_cast %swap3A_413 : vector<1x16xf32> to vector<16xf32>
      %swap3A_415 = vector.shape_cast %broadcast_in_dim3A_409 : vector<16xf32> to vector<1x16xf32>
      tpu.vector_store %arg6[%swap3A_411, %swap3A_412], %swap3A_415 {strides = array<i32>} : memref<80x128xf32, #tpu.memory_space<vmem>>, vector<1x16xf32>,
      %broadcast_in_dim3A_416 = arith.constant 0.000000e+00 : f32
      %broadcast_in_dim3A_417 = vector.broadcast %broadcast_in_dim3A_416 : f32 to vector<16xf32>
      %swap3A_418 = arith.constant 5 : i32
      %swap3A_419 = arith.index_cast %swap3A_418 : i32 to index
      %swap3A_420 = arith.constant 112 : index
      %swap3A_421 = tpu.vector_load %arg6[%swap3A_419, %swap3A_420] {strides = array<i32>} : memref<80x128xf32, #tpu.memory_space<vmem>>, vector<1x16xf32>,
      %swap3A_422 = vector.shape_cast %swap3A_421 : vector<1x16xf32> to vector<16xf32>
      %swap3A_423 = vector.shape_cast %broadcast_in_dim3A_417 : vector<16xf32> to vector<1x16xf32>
      tpu.vector_store %arg6[%swap3A_419, %swap3A_420], %swap3A_423 {strides = array<i32>} : memref<80x128xf32, #tpu.memory_space<vmem>>, vector<1x16xf32>,
      %broadcast_in_dim3A_424 = arith.constant 0.000000e+00 : f32
      %broadcast_in_dim3A_425 = vector.broadcast %broadcast_in_dim3A_424 : f32 to vector<16xf32>
      %swap3A_426 = arith.constant 6 : i32
      %swap3A_427 = arith.index_cast %swap3A_426 : i32 to index
      %swap3A_428 = arith.constant 0 : index
      %swap3A_429 = tpu.vector_load %arg6[%swap3A_427, %swap3A_428] {strides = array<i32>} : memref<80x128xf32, #tpu.memory_space<vmem>>, vector<1x16xf32>,
      %swap3A_430 = vector.shape_cast %swap3A_429 : vector<1x16xf32> to vector<16xf32>
      %swap3A_431 = vector.shape_cast %broadcast_in_dim3A_425 : vector<16xf32> to vector<1x16xf32>
      tpu.vector_store %arg6[%swap3A_427, %swap3A_428], %swap3A_431 {strides = array<i32>} : memref<80x128xf32, #tpu.memory_space<vmem>>, vector<1x16xf32>,
      %broadcast_in_dim3A_432 = arith.constant 0.000000e+00 : f32
      %broadcast_in_dim3A_433 = vector.broadcast %broadcast_in_dim3A_432 : f32 to vector<16xf32>
      %swap3A_434 = arith.constant 6 : i32
      %swap3A_435 = arith.index_cast %swap3A_434 : i32 to index
      %swap3A_436 = arith.constant 16 : index
      %swap3A_437 = tpu.vector_load %arg6[%swap3A_435, %swap3A_436] {strides = array<i32>} : memref<80x128xf32, #tpu.memory_space<vmem>>, vector<1x16xf32>,
      %swap3A_438 = vector.shape_cast %swap3A_437 : vector<1x16xf32> to vector<16xf32>
      %swap3A_439 = vector.shape_cast %broadcast_in_dim3A_433 : vector<16xf32> to vector<1x16xf32>
      tpu.vector_store %arg6[%swap3A_435, %swap3A_436], %swap3A_439 {strides = array<i32>} : memref<80x128xf32, #tpu.memory_space<vmem>>, vector<1x16xf32>,
      %broadcast_in_dim3A_440 = arith.constant 0.000000e+00 : f32
      %broadcast_in_dim3A_441 = vector.broadcast %broadcast_in_dim3A_440 : f32 to vector<16xf32>
      %swap3A_442 = arith.constant 6 : i32
      %swap3A_443 = arith.index_cast %swap3A_442 : i32 to index
      %swap3A_444 = arith.constant 32 : index
      %swap3A_445 = tpu.vector_load %arg6[%swap3A_443, %swap3A_444] {strides = array<i32>} : memref<80x128xf32, #tpu.memory_space<vmem>>, vector<1x16xf32>,
      %swap3A_446 = vector.shape_cast %swap3A_445 : vector<1x16xf32> to vector<16xf32>
      %swap3A_447 = vector.shape_cast %broadcast_in_dim3A_441 : vector<16xf32> to vector<1x16xf32>
      tpu.vector_store %arg6[%swap3A_443, %swap3A_444], %swap3A_447 {strides = array<i32>} : memref<80x128xf32, #tpu.memory_space<vmem>>, vector<1x16xf32>,
      %broadcast_in_dim3A_448 = arith.constant 0.000000e+00 : f32
      %broadcast_in_dim3A_449 = vector.broadcast %broadcast_in_dim3A_448 : f32 to vector<16xf32>
      %swap3A_450 = arith.constant 6 : i32
      %swap3A_451 = arith.index_cast %swap3A_450 : i32 to index
      %swap3A_452 = arith.constant 48 : index
      %swap3A_453 = tpu.vector_load %arg6[%swap3A_451, %swap3A_452] {strides = array<i32>} : memref<80x128xf32, #tpu.memory_space<vmem>>, vector<1x16xf32>,
      %swap3A_454 = vector.shape_cast %swap3A_453 : vector<1x16xf32> to vector<16xf32>
      %swap3A_455 = vector.shape_cast %broadcast_in_dim3A_449 : vector<16xf32> to vector<1x16xf32>
      tpu.vector_store %arg6[%swap3A_451, %swap3A_452], %swap3A_455 {strides = array<i32>} : memref<80x128xf32, #tpu.memory_space<vmem>>, vector<1x16xf32>,
      %broadcast_in_dim3A_456 = arith.constant 0.000000e+00 : f32
      %broadcast_in_dim3A_457 = vector.broadcast %broadcast_in_dim3A_456 : f32 to vector<16xf32>
      %swap3A_458 = arith.constant 6 : i32
      %swap3A_459 = arith.index_cast %swap3A_458 : i32 to index
      %swap3A_460 = arith.constant 64 : index
      %swap3A_461 = tpu.vector_load %arg6[%swap3A_459, %swap3A_460] {strides = array<i32>} : memref<80x128xf32, #tpu.memory_space<vmem>>, vector<1x16xf32>,
      %swap3A_462 = vector.shape_cast %swap3A_461 : vector<1x16xf32> to vector<16xf32>
      %swap3A_463 = vector.shape_cast %broadcast_in_dim3A_457 : vector<16xf32> to vector<1x16xf32>
      tpu.vector_store %arg6[%swap3A_459, %swap3A_460], %swap3A_463 {strides = array<i32>} : memref<80x128xf32, #tpu.memory_space<vmem>>, vector<1x16xf32>,
      %broadcast_in_dim3A_464 = arith.constant 0.000000e+00 : f32
      %broadcast_in_dim3A_465 = vector.broadcast %broadcast_in_dim3A_464 : f32 to vector<16xf32>
      %swap3A_466 = arith.constant 6 : i32
      %swap3A_467 = arith.index_cast %swap3A_466 : i32 to index
      %swap3A_468 = arith.constant 80 : index
      %swap3A_469 = tpu.vector_load %arg6[%swap3A_467, %swap3A_468] {strides = array<i32>} : memref<80x128xf32, #tpu.memory_space<vmem>>, vector<1x16xf32>,
      %swap3A_470 = vector.shape_cast %swap3A_469 : vector<1x16xf32> to vector<16xf32>
      %swap3A_471 = vector.shape_cast %broadcast_in_dim3A_465 : vector<16xf32> to vector<1x16xf32>
      tpu.vector_store %arg6[%swap3A_467, %swap3A_468], %swap3A_471 {strides = array<i32>} : memref<80x128xf32, #tpu.memory_space<vmem>>, vector<1x16xf32>,
      %broadcast_in_dim3A_472 = arith.constant 0.000000e+00 : f32
      %broadcast_in_dim3A_473 = vector.broadcast %broadcast_in_dim3A_472 : f32 to vector<16xf32>
      %swap3A_474 = arith.constant 6 : i32
      %swap3A_475 = arith.index_cast %swap3A_474 : i32 to index
      %swap3A_476 = arith.constant 96 : index
      %swap3A_477 = tpu.vector_load %arg6[%swap3A_475, %swap3A_476] {strides = array<i32>} : memref<80x128xf32, #tpu.memory_space<vmem>>, vector<1x16xf32>,
      %swap3A_478 = vector.shape_cast %swap3A_477 : vector<1x16xf32> to vector<16xf32>
      %swap3A_479 = vector.shape_cast %broadcast_in_dim3A_473 : vector<16xf32> to vector<1x16xf32>
      tpu.vector_store %arg6[%swap3A_475, %swap3A_476], %swap3A_479 {strides = array<i32>} : memref<80x128xf32, #tpu.memory_space<vmem>>, vector<1x16xf32>,
      %broadcast_in_dim3A_480 = arith.constant 0.000000e+00 : f32
      %broadcast_in_dim3A_481 = vector.broadcast %broadcast_in_dim3A_480 : f32 to vector<16xf32>
      %swap3A_482 = arith.constant 6 : i32
      %swap3A_483 = arith.index_cast %swap3A_482 : i32 to index
      %swap3A_484 = arith.constant 112 : index
      %swap3A_485 = tpu.vector_load %arg6[%swap3A_483, %swap3A_484] {strides = array<i32>} : memref<80x128xf32, #tpu.memory_space<vmem>>, vector<1x16xf32>,
      %swap3A_486 = vector.shape_cast %swap3A_485 : vector<1x16xf32> to vector<16xf32>
      %swap3A_487 = vector.shape_cast %broadcast_in_dim3A_481 : vector<16xf32> to vector<1x16xf32>
      tpu.vector_store %arg6[%swap3A_483, %swap3A_484], %swap3A_487 {strides = array<i32>} : memref<80x128xf32, #tpu.memory_space<vmem>>, vector<1x16xf32>,
      %broadcast_in_dim3A_488 = arith.constant 0.000000e+00 : f32
      %broadcast_in_dim3A_489 = vector.broadcast %broadcast_in_dim3A_488 : f32 to vector<16xf32>
      %swap3A_490 = arith.constant 7 : i32
      %swap3A_491 = arith.index_cast %swap3A_490 : i32 to index
      %swap3A_492 = arith.constant 0 : index
      %swap3A_493 = tpu.vector_load %arg6[%swap3A_491, %swap3A_492] {strides = array<i32>} : memref<80x128xf32, #tpu.memory_space<vmem>>, vector<1x16xf32>,
      %swap3A_494 = vector.shape_cast %swap3A_493 : vector<1x16xf32> to vector<16xf32>
      %swap3A_495 = vector.shape_cast %broadcast_in_dim3A_489 : vector<16xf32> to vector<1x16xf32>
      tpu.vector_store %arg6[%swap3A_491, %swap3A_492], %swap3A_495 {strides = array<i32>} : memref<80x128xf32, #tpu.memory_space<vmem>>, vector<1x16xf32>,
      %broadcast_in_dim3A_496 = arith.constant 0.000000e+00 : f32
      %broadcast_in_dim3A_497 = vector.broadcast %broadcast_in_dim3A_496 : f32 to vector<16xf32>
      %swap3A_498 = arith.constant 7 : i32
      %swap3A_499 = arith.index_cast %swap3A_498 : i32 to index
      %swap3A_500 = arith.constant 16 : index
      %swap3A_501 = tpu.vector_load %arg6[%swap3A_499, %swap3A_500] {strides = array<i32>} : memref<80x128xf32, #tpu.memory_space<vmem>>, vector<1x16xf32>,
      %swap3A_502 = vector.shape_cast %swap3A_501 : vector<1x16xf32> to vector<16xf32>
      %swap3A_503 = vector.shape_cast %broadcast_in_dim3A_497 : vector<16xf32> to vector<1x16xf32>
      tpu.vector_store %arg6[%swap3A_499, %swap3A_500], %swap3A_503 {strides = array<i32>} : memref<80x128xf32, #tpu.memory_space<vmem>>, vector<1x16xf32>,
      %broadcast_in_dim3A_504 = arith.constant 0.000000e+00 : f32
      %broadcast_in_dim3A_505 = vector.broadcast %broadcast_in_dim3A_504 : f32 to vector<16xf32>
      %swap3A_506 = arith.constant 7 : i32
      %swap3A_507 = arith.index_cast %swap3A_506 : i32 to index
      %swap3A_508 = arith.constant 32 : index
      %swap3A_509 = tpu.vector_load %arg6[%swap3A_507, %swap3A_508] {strides = array<i32>} : memref<80x128xf32, #tpu.memory_space<vmem>>, vector<1x16xf32>,
      %swap3A_510 = vector.shape_cast %swap3A_509 : vector<1x16xf32> to vector<16xf32>
      %swap3A_511 = vector.shape_cast %broadcast_in_dim3A_505 : vector<16xf32> to vector<1x16xf32>
      tpu.vector_store %arg6[%swap3A_507, %swap3A_508], %swap3A_511 {strides = array<i32>} : memref<80x128xf32, #tpu.memory_space<vmem>>, vector<1x16xf32>,
      %broadcast_in_dim3A_512 = arith.constant 0.000000e+00 : f32
      %broadcast_in_dim3A_513 = vector.broadcast %broadcast_in_dim3A_512 : f32 to vector<16xf32>
      %swap3A_514 = arith.constant 7 : i32
      %swap3A_515 = arith.index_cast %swap3A_514 : i32 to index
      %swap3A_516 = arith.constant 48 : index
      %swap3A_517 = tpu.vector_load %arg6[%swap3A_515, %swap3A_516] {strides = array<i32>} : memref<80x128xf32, #tpu.memory_space<vmem>>, vector<1x16xf32>,
      %swap3A_518 = vector.shape_cast %swap3A_517 : vector<1x16xf32> to vector<16xf32>
      %swap3A_519 = vector.shape_cast %broadcast_in_dim3A_513 : vector<16xf32> to vector<1x16xf32>
      tpu.vector_store %arg6[%swap3A_515, %swap3A_516], %swap3A_519 {strides = array<i32>} : memref<80x128xf32, #tpu.memory_space<vmem>>, vector<1x16xf32>,
      %broadcast_in_dim3A_520 = arith.constant 0.000000e+00 : f32
      %broadcast_in_dim3A_521 = vector.broadcast %broadcast_in_dim3A_520 : f32 to vector<16xf32>
      %swap3A_522 = arith.constant 7 : i32
      %swap3A_523 = arith.index_cast %swap3A_522 : i32 to index
      %swap3A_524 = arith.constant 64 : index
      %swap3A_525 = tpu.vector_load %arg6[%swap3A_523, %swap3A_524] {strides = array<i32>} : memref<80x128xf32, #tpu.memory_space<vmem>>, vector<1x16xf32>,
      %swap3A_526 = vector.shape_cast %swap3A_525 : vector<1x16xf32> to vector<16xf32>
      %swap3A_527 = vector.shape_cast %broadcast_in_dim3A_521 : vector<16xf32> to vector<1x16xf32>
      tpu.vector_store %arg6[%swap3A_523, %swap3A_524], %swap3A_527 {strides = array<i32>} : memref<80x128xf32, #tpu.memory_space<vmem>>, vector<1x16xf32>,
      %broadcast_in_dim3A_528 = arith.constant 0.000000e+00 : f32
      %broadcast_in_dim3A_529 = vector.broadcast %broadcast_in_dim3A_528 : f32 to vector<16xf32>
      %swap3A_530 = arith.constant 7 : i32
      %swap3A_531 = arith.index_cast %swap3A_530 : i32 to index
      %swap3A_532 = arith.constant 80 : index
      %swap3A_533 = tpu.vector_load %arg6[%swap3A_531, %swap3A_532] {strides = array<i32>} : memref<80x128xf32, #tpu.memory_space<vmem>>, vector<1x16xf32>,
      %swap3A_534 = vector.shape_cast %swap3A_533 : vector<1x16xf32> to vector<16xf32>
      %swap3A_535 = vector.shape_cast %broadcast_in_dim3A_529 : vector<16xf32> to vector<1x16xf32>
      tpu.vector_store %arg6[%swap3A_531, %swap3A_532], %swap3A_535 {strides = array<i32>} : memref<80x128xf32, #tpu.memory_space<vmem>>, vector<1x16xf32>,
      %broadcast_in_dim3A_536 = arith.constant 0.000000e+00 : f32
      %broadcast_in_dim3A_537 = vector.broadcast %broadcast_in_dim3A_536 : f32 to vector<16xf32>
      %swap3A_538 = arith.constant 7 : i32
      %swap3A_539 = arith.index_cast %swap3A_538 : i32 to index
      %swap3A_540 = arith.constant 96 : index
      %swap3A_541 = tpu.vector_load %arg6[%swap3A_539, %swap3A_540] {strides = array<i32>} : memref<80x128xf32, #tpu.memory_space<vmem>>, vector<1x16xf32>,
      %swap3A_542 = vector.shape_cast %swap3A_541 : vector<1x16xf32> to vector<16xf32>
      %swap3A_543 = vector.shape_cast %broadcast_in_dim3A_537 : vector<16xf32> to vector<1x16xf32>
      tpu.vector_store %arg6[%swap3A_539, %swap3A_540], %swap3A_543 {strides = array<i32>} : memref<80x128xf32, #tpu.memory_space<vmem>>, vector<1x16xf32>,
      %broadcast_in_dim3A_544 = arith.constant 0.000000e+00 : f32
      %broadcast_in_dim3A_545 = vector.broadcast %broadcast_in_dim3A_544 : f32 to vector<16xf32>
      %swap3A_546 = arith.constant 7 : i32
      %swap3A_547 = arith.index_cast %swap3A_546 : i32 to index
      %swap3A_548 = arith.constant 112 : index
      %swap3A_549 = tpu.vector_load %arg6[%swap3A_547, %swap3A_548] {strides = array<i32>} : memref<80x128xf32, #tpu.memory_space<vmem>>, vector<1x16xf32>,
      %swap3A_550 = vector.shape_cast %swap3A_549 : vector<1x16xf32> to vector<16xf32>
      %swap3A_551 = vector.shape_cast %broadcast_in_dim3A_545 : vector<16xf32> to vector<1x16xf32>
      tpu.vector_store %arg6[%swap3A_547, %swap3A_548], %swap3A_551 {strides = array<i32>} : memref<80x128xf32, #tpu.memory_space<vmem>>, vector<1x16xf32>,
      "tpu.region"() ({
        %run_scoped3A = tpu.sem_alloc : memref<!tpu.dma_semaphore, #tpu.memory_space<semaphore_mem>>
        %dma_start3A_552 = arith.constant 0 : i32
        %dma_start3A_553 = arith.constant 0 : i32
        %dma_start3A_554 = tpu.memref_slice %arg6[%dma_start3A_552, %dma_start3A_553] : memref<80x128xf32, #tpu.memory_space<vmem>> -> memref<8x128xf32, #tpu.memory_space<vmem>>
        %dma_start3A_555 = arith.constant 10000 : i32
        %dma_start3A_556 = arith.constant 0 : i32
        %dma_start3A_557 = tpu.memref_slice %arg15[%dma_start3A_555, %dma_start3A_556] : memref<10112x128xf32, #tpu.memory_space<vmem_shared>> -> memref<8x128xf32, #tpu.memory_space<vmem_shared>>
        %dma_start3A_558 = arith.constant 10000 : i32
        %dma_start3A_559 = arith.constant 0 : i32
        %dma_start3A_560 = tpu.memref_slice %arg15[%dma_start3A_558, %dma_start3A_559] : memref<10112x128xf32, #tpu.memory_space<vmem_shared>> -> memref<8x128xf32, #tpu.memory_space<vmem_shared>>
        %dma_start3A_561 = arith.constant 0 : i32
        %dma_start3A_562 = arith.constant 0 : i32
        %dma_start3A_563 = tpu.memref_slice %arg6[%dma_start3A_561, %dma_start3A_562] : memref<80x128xf32, #tpu.memory_space<vmem>> -> memref<8x128xf32, #tpu.memory_space<vmem>>
        tpu.enqueue_dma source(%dma_start3A_563 : memref<8x128xf32, #tpu.memory_space<vmem>>) target(%dma_start3A_560 : memref<8x128xf32, #tpu.memory_space<vmem_shared>>) target_semaphore(%run_scoped3A : memref<!tpu.dma_semaphore, #tpu.memory_space<semaphore_mem>>)
        %dma_wait3A_564 = arith.constant 0 : i32
        %dma_wait3A_565 = arith.constant 0 : i32
        %dma_wait3A_566 = tpu.memref_slice %arg6[%dma_wait3A_564, %dma_wait3A_565] : memref<80x128xf32, #tpu.memory_space<vmem>> -> memref<8x128xf32, #tpu.memory_space<vmem>>
        %dma_wait3A_567 = arith.constant 10000 : i32
        %dma_wait3A_568 = arith.constant 0 : i32
        %dma_wait3A_569 = tpu.memref_slice %arg15[%dma_wait3A_567, %dma_wait3A_568] : memref<10112x128xf32, #tpu.memory_space<vmem_shared>> -> memref<8x128xf32, #tpu.memory_space<vmem_shared>>
        %dma_wait3A_570 = arith.constant 10000 : i32
        %dma_wait3A_571 = arith.constant 0 : i32
        %dma_wait3A_572 = tpu.memref_slice %arg15[%dma_wait3A_570, %dma_wait3A_571] : memref<10112x128xf32, #tpu.memory_space<vmem_shared>> -> memref<8x128xf32, #tpu.memory_space<vmem_shared>>
        %dma_wait3A_573 = arith.constant 0 : i32
        %dma_wait3A_574 = arith.constant 0 : i32
        %dma_wait3A_575 = tpu.memref_slice %arg6[%dma_wait3A_573, %dma_wait3A_574] : memref<80x128xf32, #tpu.memory_space<vmem>> -> memref<8x128xf32, #tpu.memory_space<vmem>>
        tpu.wait_dma2 semaphore(%run_scoped3A : memref<!tpu.dma_semaphore, #tpu.memory_space<semaphore_mem>>) src(%dma_wait3A_575 : memref<8x128xf32, #tpu.memory_space<vmem>>) dst(%dma_wait3A_572 : memref<8x128xf32, #tpu.memory_space<vmem_shared>>)
        tpu.yield
      }) : () -> ()
    } else {
    }
    "tpu.region"() ({
      %run_scoped3A = tpu.sem_alloc : memref<!tpu.dma_semaphore, #tpu.memory_space<semaphore_mem>>
      %dma_start3A_40 = tpu.memref_slice %arg3[%multiple_of3A] : memref<320000xi32, #tpu.memory_space<hbm>> -> memref<10000xi32, #tpu.memory_space<hbm>>
      %dma_start3A_41 = tpu.memref_slice %arg3[%multiple_of3A] : memref<320000xi32, #tpu.memory_space<hbm>> -> memref<10000xi32, #tpu.memory_space<hbm>>
      tpu.enqueue_dma source(%dma_start3A_41 : memref<10000xi32, #tpu.memory_space<hbm>>) target(%arg5 : memref<10000xi32, #tpu.memory_space<vmem>>) target_semaphore(%run_scoped3A : memref<!tpu.dma_semaphore, #tpu.memory_space<semaphore_mem>>)
      %dma_wait3A_42 = tpu.memref_slice %arg3[%multiple_of3A] : memref<320000xi32, #tpu.memory_space<hbm>> -> memref<10000xi32, #tpu.memory_space<hbm>>
      %dma_wait3A_43 = tpu.memref_slice %arg3[%multiple_of3A] : memref<320000xi32, #tpu.memory_space<hbm>> -> memref<10000xi32, #tpu.memory_space<hbm>>
      tpu.wait_dma2 semaphore(%run_scoped3A : memref<!tpu.dma_semaphore, #tpu.memory_space<semaphore_mem>>) src(%dma_wait3A_43 : memref<10000xi32, #tpu.memory_space<hbm>>) dst(%arg5 : memref<10000xi32, #tpu.memory_space<vmem>>)
      tpu.yield
    }) : () -> ()
    %barrier3A = arith.constant 0 : index
    tpu.barrier barrier_id(%barrier3A)
    %scan3A = arith.constant 0 : i32
    %scan3A_15 = arith.constant 0 : i32
    %scan3A_16 = arith.constant 42 : i32
    %scan3A_17 = arith.addi %scan3A_15, %scan3A_16 : i32
    %scan3A_18 = arith.constant 1 : i32
    scf.for %scan3A_40 = %scan3A_15 to %scan3A_17 step %scan3A_18  : i32 {
      %mul3A_41 = arith.constant 3 : i32
      %mul3A_42 = arith.muli %scan3A_40, %mul3A_41 : i32
      %add3A_43 = arith.constant 0 : i32
      %add3A_44 = arith.addi %mul3A_42, %add3A_43 : i32
      %lt3A_45 = arith.constant 125 : i32
      %lt3A_46 = arith.cmpi slt, %add3A_44, %lt3A_45 : i32
      %convert_element_type3A_47 = arith.extui %lt3A_46 : i1 to i32
      %cond3A_48 = arith.constant 0 : i32
      %cond3A_49 = arith.cmpi ne, %convert_element_type3A_47, %cond3A_48 : i32
      scf.if %cond3A_49 {
        %ge3A = arith.constant 3 : i32
        %ge3A_68 = arith.cmpi sge, %add3A_44, %ge3A : i32
        %convert_element_type3A_69 = arith.extui %ge3A_68 : i1 to i32
        %cond3A_70 = arith.constant 0 : i32
        %cond3A_71 = arith.cmpi ne, %convert_element_type3A_69, %cond3A_70 : i32
        scf.if %cond3A_71 {
          %sub3A = arith.constant 3 : i32
          %sub3A_161 = arith.subi %add3A_44, %sub3A : i32
          %mul3A_162 = arith.constant 80 : i32
          %mul3A_163 = arith.muli %sub3A_161, %mul3A_162 : i32
          %multiple_of3A_164 = tpu.assume_multiple %mul3A_163, 8 : i32
          %dma_wait3A_165 = tpu.memref_slice %arg4[%multiple_of3A_164, %multiple_of3A_5] : memref<10000x4096xf32, #tpu.memory_space<hbm>> -> memref<80x128xf32, #tpu.memory_space<hbm>>
          %dma_wait3A_166 = tpu.memref_slice %arg4[%multiple_of3A_164, %multiple_of3A_5] : memref<10000x4096xf32, #tpu.memory_space<hbm>> -> memref<80x128xf32, #tpu.memory_space<hbm>>
          tpu.wait_dma2 semaphore(%arg12 : memref<!tpu.dma_semaphore, #tpu.memory_space<semaphore_mem>>) src(%arg6 : memref<80x128xf32, #tpu.memory_space<vmem>>) dst(%dma_wait3A_166 : memref<80x128xf32, #tpu.memory_space<hbm>>)
        } else {
        }
        %mul3A_72 = arith.constant 80 : i32
        %mul3A_73 = arith.muli %add3A_44, %mul3A_72 : i32
        %add3A_74 = arith.constant 0 : i32
        %add3A_75 = arith.addi %mul3A_73, %add3A_74 : i32
        %multiple_of3A_76 = tpu.assume_multiple %add3A_75, 8 : i32
        %get3A = arith.index_cast %multiple_of3A_76 : i32 to index
        %get3A_77 = tpu.vector_load %arg5[%get3A] {strides = array<i32>} : memref<10000xi32, #tpu.memory_space<vmem>>, vector<16xi32>,
        %get3A_78 = vector.shape_cast %get3A_77 : vector<16xi32> to vector<16xi32>
        %lt3A_79 = arith.constant 0 : i32
        %lt3A_80 = vector.broadcast %lt3A_79 : i32 to vector<16xi32>
        %lt3A_81 = arith.cmpi slt, %get3A_78, %lt3A_80 : vector<16xi32>
        %jit3A = arith.constant 10000 : i32
        %broadcast_in_dim3A = vector.broadcast %jit3A : i32 to vector<16xi32>
        %select_n3A = arith.select %lt3A_81, %broadcast_in_dim3A, %get3A_78 : vector<16xi1>, vector<16xi32>
        %swap3A = arith.index_cast %multiple_of3A_76 : i32 to index
        %swap3A_82 = tpu.vector_load %arg5[%swap3A] {strides = array<i32>} : memref<10000xi32, #tpu.memory_space<vmem>>, vector<16xi32>,
        %swap3A_83 = vector.shape_cast %swap3A_82 : vector<16xi32> to vector<16xi32>
        %swap3A_84 = vector.shape_cast %select_n3A : vector<16xi32> to vector<16xi32>
        tpu.vector_store %arg5[%swap3A], %swap3A_84 {strides = array<i32>} : memref<10000xi32, #tpu.memory_space<vmem>>, vector<16xi32>,
        %add3A_85 = arith.constant 16 : i32
        %add3A_86 = arith.addi %mul3A_73, %add3A_85 : i32
        %multiple_of3A_87 = tpu.assume_multiple %add3A_86, 8 : i32
        %get3A_88 = arith.index_cast %multiple_of3A_87 : i32 to index
        %get3A_89 = tpu.vector_load %arg5[%get3A_88] {strides = array<i32>} : memref<10000xi32, #tpu.memory_space<vmem>>, vector<16xi32>,
        %get3A_90 = vector.shape_cast %get3A_89 : vector<16xi32> to vector<16xi32>
        %lt3A_91 = arith.constant 0 : i32
        %lt3A_92 = vector.broadcast %lt3A_91 : i32 to vector<16xi32>
        %lt3A_93 = arith.cmpi slt, %get3A_90, %lt3A_92 : vector<16xi32>
        %jit3A_94 = arith.constant 10000 : i32
        %broadcast_in_dim3A_95 = vector.broadcast %jit3A_94 : i32 to vector<16xi32>
        %select_n3A_96 = arith.select %lt3A_93, %broadcast_in_dim3A_95, %get3A_90 : vector<16xi1>, vector<16xi32>
        %swap3A_97 = arith.index_cast %multiple_of3A_87 : i32 to index
        %swap3A_98 = tpu.vector_load %arg5[%swap3A_97] {strides = array<i32>} : memref<10000xi32, #tpu.memory_space<vmem>>, vector<16xi32>,
        %swap3A_99 = vector.shape_cast %swap3A_98 : vector<16xi32> to vector<16xi32>
        %swap3A_100 = vector.shape_cast %select_n3A_96 : vector<16xi32> to vector<16xi32>
        tpu.vector_store %arg5[%swap3A_97], %swap3A_100 {strides = array<i32>} : memref<10000xi32, #tpu.memory_space<vmem>>, vector<16xi32>,
        %add3A_101 = arith.constant 32 : i32
        %add3A_102 = arith.addi %mul3A_73, %add3A_101 : i32
        %multiple_of3A_103 = tpu.assume_multiple %add3A_102, 8 : i32
        %get3A_104 = arith.index_cast %multiple_of3A_103 : i32 to index
        %get3A_105 = tpu.vector_load %arg5[%get3A_104] {strides = array<i32>} : memref<10000xi32, #tpu.memory_space<vmem>>, vector<16xi32>,
        %get3A_106 = vector.shape_cast %get3A_105 : vector<16xi32> to vector<16xi32>
        %lt3A_107 = arith.constant 0 : i32
        %lt3A_108 = vector.broadcast %lt3A_107 : i32 to vector<16xi32>
        %lt3A_109 = arith.cmpi slt, %get3A_106, %lt3A_108 : vector<16xi32>
        %jit3A_110 = arith.constant 10000 : i32
        %broadcast_in_dim3A_111 = vector.broadcast %jit3A_110 : i32 to vector<16xi32>
        %select_n3A_112 = arith.select %lt3A_109, %broadcast_in_dim3A_111, %get3A_106 : vector<16xi1>, vector<16xi32>
        %swap3A_113 = arith.index_cast %multiple_of3A_103 : i32 to index
        %swap3A_114 = tpu.vector_load %arg5[%swap3A_113] {strides = array<i32>} : memref<10000xi32, #tpu.memory_space<vmem>>, vector<16xi32>,
        %swap3A_115 = vector.shape_cast %swap3A_114 : vector<16xi32> to vector<16xi32>
        %swap3A_116 = vector.shape_cast %select_n3A_112 : vector<16xi32> to vector<16xi32>
        tpu.vector_store %arg5[%swap3A_113], %swap3A_116 {strides = array<i32>} : memref<10000xi32, #tpu.memory_space<vmem>>, vector<16xi32>,
        %add3A_117 = arith.constant 48 : i32
        %add3A_118 = arith.addi %mul3A_73, %add3A_117 : i32
        %multiple_of3A_119 = tpu.assume_multiple %add3A_118, 8 : i32
        %get3A_120 = arith.index_cast %multiple_of3A_119 : i32 to index
        %get3A_121 = tpu.vector_load %arg5[%get3A_120] {strides = array<i32>} : memref<10000xi32, #tpu.memory_space<vmem>>, vector<16xi32>,
        %get3A_122 = vector.shape_cast %get3A_121 : vector<16xi32> to vector<16xi32>
        %lt3A_123 = arith.constant 0 : i32
        %lt3A_124 = vector.broadcast %lt3A_123 : i32 to vector<16xi32>
        %lt3A_125 = arith.cmpi slt, %get3A_122, %lt3A_124 : vector<16xi32>
        %jit3A_126 = arith.constant 10000 : i32
        %broadcast_in_dim3A_127 = vector.broadcast %jit3A_126 : i32 to vector<16xi32>
        %select_n3A_128 = arith.select %lt3A_125, %broadcast_in_dim3A_127, %get3A_122 : vector<16xi1>, vector<16xi32>
        %swap3A_129 = arith.index_cast %multiple_of3A_119 : i32 to index
        %swap3A_130 = tpu.vector_load %arg5[%swap3A_129] {strides = array<i32>} : memref<10000xi32, #tpu.memory_space<vmem>>, vector<16xi32>,
        %swap3A_131 = vector.shape_cast %swap3A_130 : vector<16xi32> to vector<16xi32>
        %swap3A_132 = vector.shape_cast %select_n3A_128 : vector<16xi32> to vector<16xi32>
        tpu.vector_store %arg5[%swap3A_129], %swap3A_132 {strides = array<i32>} : memref<10000xi32, #tpu.memory_space<vmem>>, vector<16xi32>,
        %add3A_133 = arith.constant 64 : i32
        %add3A_134 = arith.addi %mul3A_73, %add3A_133 : i32
        %multiple_of3A_135 = tpu.assume_multiple %add3A_134, 8 : i32
        %get3A_136 = arith.index_cast %multiple_of3A_135 : i32 to index
        %get3A_137 = tpu.vector_load %arg5[%get3A_136] {strides = array<i32>} : memref<10000xi32, #tpu.memory_space<vmem>>, vector<16xi32>,
        %get3A_138 = vector.shape_cast %get3A_137 : vector<16xi32> to vector<16xi32>
        %lt3A_139 = arith.constant 0 : i32
        %lt3A_140 = vector.broadcast %lt3A_139 : i32 to vector<16xi32>
        %lt3A_141 = arith.cmpi slt, %get3A_138, %lt3A_140 : vector<16xi32>
        %jit3A_142 = arith.constant 10000 : i32
        %broadcast_in_dim3A_143 = vector.broadcast %jit3A_142 : i32 to vector<16xi32>
        %select_n3A_144 = arith.select %lt3A_141, %broadcast_in_dim3A_143, %get3A_138 : vector<16xi1>, vector<16xi32>
        %swap3A_145 = arith.index_cast %multiple_of3A_135 : i32 to index
        %swap3A_146 = tpu.vector_load %arg5[%swap3A_145] {strides = array<i32>} : memref<10000xi32, #tpu.memory_space<vmem>>, vector<16xi32>,
        %swap3A_147 = vector.shape_cast %swap3A_146 : vector<16xi32> to vector<16xi32>
        %swap3A_148 = vector.shape_cast %select_n3A_144 : vector<16xi32> to vector<16xi32>
        tpu.vector_store %arg5[%swap3A_145], %swap3A_148 {strides = array<i32>} : memref<10000xi32, #tpu.memory_space<vmem>>, vector<16xi32>,
        %mul3A_149 = arith.constant 80 : i32
        %mul3A_150 = arith.muli %add3A_44, %mul3A_149 : i32
        %multiple_of3A_151 = tpu.assume_multiple %mul3A_150, 8 : i32
        %dma_start3A_152 = tpu.memref_slice %arg5[%multiple_of3A_151] : memref<10000xi32, #tpu.memory_space<vmem>> -> memref<80xi32, #tpu.memory_space<vmem>>
        %dma_start3A_153 = arith.constant 0 : i32
        %dma_start3A_154 = arith.constant 0 : i32
        %dma_start3A_155 = tpu.memref_slice %arg15[%dma_start3A_153, %dma_start3A_154] : memref<10112x128xf32, #tpu.memory_space<vmem_shared>> -> memref<10112x128xf32, #tpu.memory_space<vmem_shared>>
        tpu.enqueue_indirect_dma source(%dma_start3A_155 : memref<10112x128xf32, #tpu.memory_space<vmem_shared>>) target(%arg6 : memref<80x128xf32, #tpu.memory_space<vmem>>) offsets(%dma_start3A_152 : memref<80xi32, #tpu.memory_space<vmem>>) semaphore(%arg9 : memref<!tpu.dma_semaphore, #tpu.memory_space<semaphore_mem>>)
        %ge3A_156 = arith.constant 1 : i32
        %ge3A_157 = arith.cmpi sge, %add3A_44, %ge3A_156 : i32
        %convert_element_type3A_158 = arith.extui %ge3A_157 : i1 to i32
        %cond3A_159 = arith.constant 0 : i32
        %cond3A_160 = arith.cmpi ne, %convert_element_type3A_158, %cond3A_159 : i32
        scf.if %cond3A_160 {
          %sub3A = arith.constant 1 : i32
          %sub3A_161 = arith.subi %add3A_44, %sub3A : i32
          %mul3A_162 = arith.constant 80 : i32
          %mul3A_163 = arith.muli %sub3A_161, %mul3A_162 : i32
          %multiple_of3A_164 = tpu.assume_multiple %mul3A_163, 8 : i32
          %dma_wait3A_165 = tpu.memref_slice %arg5[%multiple_of3A_164] : memref<10000xi32, #tpu.memory_space<vmem>> -> memref<80xi32, #tpu.memory_space<vmem>>
          %dma_wait3A_166 = arith.constant 0 : i32
          %dma_wait3A_167 = arith.constant 0 : i32
          %dma_wait3A_168 = tpu.memref_slice %arg15[%dma_wait3A_166, %dma_wait3A_167] : memref<10112x128xf32, #tpu.memory_space<vmem_shared>> -> memref<10112x128xf32, #tpu.memory_space<vmem_shared>>
          tpu.wait_indirect_dma semaphore(%arg11 : memref<!tpu.dma_semaphore, #tpu.memory_space<semaphore_mem>>) src(%dma_wait3A_168 : memref<10112x128xf32, #tpu.memory_space<vmem_shared>>) dst(%arg8 : memref<80x128xf32, #tpu.memory_space<vmem>>)
          %sub3A_169 = arith.constant 1 : i32
          %sub3A_170 = arith.subi %add3A_44, %sub3A_169 : i32
          %mul3A_171 = arith.constant 80 : i32
          %mul3A_172 = arith.muli %sub3A_170, %mul3A_171 : i32
          %multiple_of3A_173 = tpu.assume_multiple %mul3A_172, 8 : i32
          %dma_start3A_174 = tpu.memref_slice %arg4[%multiple_of3A_173, %multiple_of3A_5] : memref<10000x4096xf32, #tpu.memory_space<hbm>> -> memref<80x128xf32, #tpu.memory_space<hbm>>
          %dma_start3A_175 = tpu.memref_slice %arg4[%multiple_of3A_173, %multiple_of3A_5] : memref<10000x4096xf32, #tpu.memory_space<hbm>> -> memref<80x128xf32, #tpu.memory_space<hbm>>
          tpu.enqueue_dma source(%arg8 : memref<80x128xf32, #tpu.memory_space<vmem>>) target(%dma_start3A_175 : memref<80x128xf32, #tpu.memory_space<hbm>>) target_semaphore(%arg14 : memref<!tpu.dma_semaphore, #tpu.memory_space<semaphore_mem>>)
        } else {
        }
      } else {
      }
      %mul3A_50 = arith.constant 3 : i32
      %mul3A_51 = arith.muli %scan3A_40, %mul3A_50 : i32
      %add3A_52 = arith.constant 1 : i32
      %add3A_53 = arith.addi %mul3A_51, %add3A_52 : i32
      %lt3A_54 = arith.constant 125 : i32
      %lt3A_55 = arith.cmpi slt, %add3A_53, %lt3A_54 : i32
      %convert_element_type3A_56 = arith.extui %lt3A_55 : i1 to i32
      %cond3A_57 = arith.constant 0 : i32
      %cond3A_58 = arith.cmpi ne, %convert_element_type3A_56, %cond3A_57 : i32
      scf.if %cond3A_58 {
        %ge3A = arith.constant 3 : i32
        %ge3A_68 = arith.cmpi sge, %add3A_53, %ge3A : i32
        %convert_element_type3A_69 = arith.extui %ge3A_68 : i1 to i32
        %cond3A_70 = arith.constant 0 : i32
        %cond3A_71 = arith.cmpi ne, %convert_element_type3A_69, %cond3A_70 : i32
        scf.if %cond3A_71 {
          %sub3A = arith.constant 3 : i32
          %sub3A_161 = arith.subi %add3A_53, %sub3A : i32
          %mul3A_162 = arith.constant 80 : i32
          %mul3A_163 = arith.muli %sub3A_161, %mul3A_162 : i32
          %multiple_of3A_164 = tpu.assume_multiple %mul3A_163, 8 : i32
          %dma_wait3A_165 = tpu.memref_slice %arg4[%multiple_of3A_164, %multiple_of3A_5] : memref<10000x4096xf32, #tpu.memory_space<hbm>> -> memref<80x128xf32, #tpu.memory_space<hbm>>
          %dma_wait3A_166 = tpu.memref_slice %arg4[%multiple_of3A_164, %multiple_of3A_5] : memref<10000x4096xf32, #tpu.memory_space<hbm>> -> memref<80x128xf32, #tpu.memory_space<hbm>>
          tpu.wait_dma2 semaphore(%arg13 : memref<!tpu.dma_semaphore, #tpu.memory_space<semaphore_mem>>) src(%arg7 : memref<80x128xf32, #tpu.memory_space<vmem>>) dst(%dma_wait3A_166 : memref<80x128xf32, #tpu.memory_space<hbm>>)
        } else {
        }
        %mul3A_72 = arith.constant 80 : i32
        %mul3A_73 = arith.muli %add3A_53, %mul3A_72 : i32
        %add3A_74 = arith.constant 0 : i32
        %add3A_75 = arith.addi %mul3A_73, %add3A_74 : i32
        %multiple_of3A_76 = tpu.assume_multiple %add3A_75, 8 : i32
        %get3A = arith.index_cast %multiple_of3A_76 : i32 to index
        %get3A_77 = tpu.vector_load %arg5[%get3A] {strides = array<i32>} : memref<10000xi32, #tpu.memory_space<vmem>>, vector<16xi32>,
        %get3A_78 = vector.shape_cast %get3A_77 : vector<16xi32> to vector<16xi32>
        %lt3A_79 = arith.constant 0 : i32
        %lt3A_80 = vector.broadcast %lt3A_79 : i32 to vector<16xi32>
        %lt3A_81 = arith.cmpi slt, %get3A_78, %lt3A_80 : vector<16xi32>
        %jit3A = arith.constant 10000 : i32
        %broadcast_in_dim3A = vector.broadcast %jit3A : i32 to vector<16xi32>
        %select_n3A = arith.select %lt3A_81, %broadcast_in_dim3A, %get3A_78 : vector<16xi1>, vector<16xi32>
        %swap3A = arith.index_cast %multiple_of3A_76 : i32 to index
        %swap3A_82 = tpu.vector_load %arg5[%swap3A] {strides = array<i32>} : memref<10000xi32, #tpu.memory_space<vmem>>, vector<16xi32>,
        %swap3A_83 = vector.shape_cast %swap3A_82 : vector<16xi32> to vector<16xi32>
        %swap3A_84 = vector.shape_cast %select_n3A : vector<16xi32> to vector<16xi32>
        tpu.vector_store %arg5[%swap3A], %swap3A_84 {strides = array<i32>} : memref<10000xi32, #tpu.memory_space<vmem>>, vector<16xi32>,
        %add3A_85 = arith.constant 16 : i32
        %add3A_86 = arith.addi %mul3A_73, %add3A_85 : i32
        %multiple_of3A_87 = tpu.assume_multiple %add3A_86, 8 : i32
        %get3A_88 = arith.index_cast %multiple_of3A_87 : i32 to index
        %get3A_89 = tpu.vector_load %arg5[%get3A_88] {strides = array<i32>} : memref<10000xi32, #tpu.memory_space<vmem>>, vector<16xi32>,
        %get3A_90 = vector.shape_cast %get3A_89 : vector<16xi32> to vector<16xi32>
        %lt3A_91 = arith.constant 0 : i32
        %lt3A_92 = vector.broadcast %lt3A_91 : i32 to vector<16xi32>
        %lt3A_93 = arith.cmpi slt, %get3A_90, %lt3A_92 : vector<16xi32>
        %jit3A_94 = arith.constant 10000 : i32
        %broadcast_in_dim3A_95 = vector.broadcast %jit3A_94 : i32 to vector<16xi32>
        %select_n3A_96 = arith.select %lt3A_93, %broadcast_in_dim3A_95, %get3A_90 : vector<16xi1>, vector<16xi32>
        %swap3A_97 = arith.index_cast %multiple_of3A_87 : i32 to index
        %swap3A_98 = tpu.vector_load %arg5[%swap3A_97] {strides = array<i32>} : memref<10000xi32, #tpu.memory_space<vmem>>, vector<16xi32>,
        %swap3A_99 = vector.shape_cast %swap3A_98 : vector<16xi32> to vector<16xi32>
        %swap3A_100 = vector.shape_cast %select_n3A_96 : vector<16xi32> to vector<16xi32>
        tpu.vector_store %arg5[%swap3A_97], %swap3A_100 {strides = array<i32>} : memref<10000xi32, #tpu.memory_space<vmem>>, vector<16xi32>,
        %add3A_101 = arith.constant 32 : i32
        %add3A_102 = arith.addi %mul3A_73, %add3A_101 : i32
        %multiple_of3A_103 = tpu.assume_multiple %add3A_102, 8 : i32
        %get3A_104 = arith.index_cast %multiple_of3A_103 : i32 to index
        %get3A_105 = tpu.vector_load %arg5[%get3A_104] {strides = array<i32>} : memref<10000xi32, #tpu.memory_space<vmem>>, vector<16xi32>,
        %get3A_106 = vector.shape_cast %get3A_105 : vector<16xi32> to vector<16xi32>
        %lt3A_107 = arith.constant 0 : i32
        %lt3A_108 = vector.broadcast %lt3A_107 : i32 to vector<16xi32>
        %lt3A_109 = arith.cmpi slt, %get3A_106, %lt3A_108 : vector<16xi32>
        %jit3A_110 = arith.constant 10000 : i32
        %broadcast_in_dim3A_111 = vector.broadcast %jit3A_110 : i32 to vector<16xi32>
        %select_n3A_112 = arith.select %lt3A_109, %broadcast_in_dim3A_111, %get3A_106 : vector<16xi1>, vector<16xi32>
        %swap3A_113 = arith.index_cast %multiple_of3A_103 : i32 to index
        %swap3A_114 = tpu.vector_load %arg5[%swap3A_113] {strides = array<i32>} : memref<10000xi32, #tpu.memory_space<vmem>>, vector<16xi32>,
        %swap3A_115 = vector.shape_cast %swap3A_114 : vector<16xi32> to vector<16xi32>
        %swap3A_116 = vector.shape_cast %select_n3A_112 : vector<16xi32> to vector<16xi32>
        tpu.vector_store %arg5[%swap3A_113], %swap3A_116 {strides = array<i32>} : memref<10000xi32, #tpu.memory_space<vmem>>, vector<16xi32>,
        %add3A_117 = arith.constant 48 : i32
        %add3A_118 = arith.addi %mul3A_73, %add3A_117 : i32
        %multiple_of3A_119 = tpu.assume_multiple %add3A_118, 8 : i32
        %get3A_120 = arith.index_cast %multiple_of3A_119 : i32 to index
        %get3A_121 = tpu.vector_load %arg5[%get3A_120] {strides = array<i32>} : memref<10000xi32, #tpu.memory_space<vmem>>, vector<16xi32>,
        %get3A_122 = vector.shape_cast %get3A_121 : vector<16xi32> to vector<16xi32>
        %lt3A_123 = arith.constant 0 : i32
        %lt3A_124 = vector.broadcast %lt3A_123 : i32 to vector<16xi32>
        %lt3A_125 = arith.cmpi slt, %get3A_122, %lt3A_124 : vector<16xi32>
        %jit3A_126 = arith.constant 10000 : i32
        %broadcast_in_dim3A_127 = vector.broadcast %jit3A_126 : i32 to vector<16xi32>
        %select_n3A_128 = arith.select %lt3A_125, %broadcast_in_dim3A_127, %get3A_122 : vector<16xi1>, vector<16xi32>
        %swap3A_129 = arith.index_cast %multiple_of3A_119 : i32 to index
        %swap3A_130 = tpu.vector_load %arg5[%swap3A_129] {strides = array<i32>} : memref<10000xi32, #tpu.memory_space<vmem>>, vector<16xi32>,
        %swap3A_131 = vector.shape_cast %swap3A_130 : vector<16xi32> to vector<16xi32>
        %swap3A_132 = vector.shape_cast %select_n3A_128 : vector<16xi32> to vector<16xi32>
        tpu.vector_store %arg5[%swap3A_129], %swap3A_132 {strides = array<i32>} : memref<10000xi32, #tpu.memory_space<vmem>>, vector<16xi32>,
        %add3A_133 = arith.constant 64 : i32
        %add3A_134 = arith.addi %mul3A_73, %add3A_133 : i32
        %multiple_of3A_135 = tpu.assume_multiple %add3A_134, 8 : i32
        %get3A_136 = arith.index_cast %multiple_of3A_135 : i32 to index
        %get3A_137 = tpu.vector_load %arg5[%get3A_136] {strides = array<i32>} : memref<10000xi32, #tpu.memory_space<vmem>>, vector<16xi32>,
        %get3A_138 = vector.shape_cast %get3A_137 : vector<16xi32> to vector<16xi32>
        %lt3A_139 = arith.constant 0 : i32
        %lt3A_140 = vector.broadcast %lt3A_139 : i32 to vector<16xi32>
        %lt3A_141 = arith.cmpi slt, %get3A_138, %lt3A_140 : vector<16xi32>
        %jit3A_142 = arith.constant 10000 : i32
        %broadcast_in_dim3A_143 = vector.broadcast %jit3A_142 : i32 to vector<16xi32>
        %select_n3A_144 = arith.select %lt3A_141, %broadcast_in_dim3A_143, %get3A_138 : vector<16xi1>, vector<16xi32>
        %swap3A_145 = arith.index_cast %multiple_of3A_135 : i32 to index
        %swap3A_146 = tpu.vector_load %arg5[%swap3A_145] {strides = array<i32>} : memref<10000xi32, #tpu.memory_space<vmem>>, vector<16xi32>,
        %swap3A_147 = vector.shape_cast %swap3A_146 : vector<16xi32> to vector<16xi32>
        %swap3A_148 = vector.shape_cast %select_n3A_144 : vector<16xi32> to vector<16xi32>
        tpu.vector_store %arg5[%swap3A_145], %swap3A_148 {strides = array<i32>} : memref<10000xi32, #tpu.memory_space<vmem>>, vector<16xi32>,
        %mul3A_149 = arith.constant 80 : i32
        %mul3A_150 = arith.muli %add3A_53, %mul3A_149 : i32
        %multiple_of3A_151 = tpu.assume_multiple %mul3A_150, 8 : i32
        %dma_start3A_152 = tpu.memref_slice %arg5[%multiple_of3A_151] : memref<10000xi32, #tpu.memory_space<vmem>> -> memref<80xi32, #tpu.memory_space<vmem>>
        %dma_start3A_153 = arith.constant 0 : i32
        %dma_start3A_154 = arith.constant 0 : i32
        %dma_start3A_155 = tpu.memref_slice %arg15[%dma_start3A_153, %dma_start3A_154] : memref<10112x128xf32, #tpu.memory_space<vmem_shared>> -> memref<10112x128xf32, #tpu.memory_space<vmem_shared>>
        tpu.enqueue_indirect_dma source(%dma_start3A_155 : memref<10112x128xf32, #tpu.memory_space<vmem_shared>>) target(%arg7 : memref<80x128xf32, #tpu.memory_space<vmem>>) offsets(%dma_start3A_152 : memref<80xi32, #tpu.memory_space<vmem>>) semaphore(%arg10 : memref<!tpu.dma_semaphore, #tpu.memory_space<semaphore_mem>>)
        %ge3A_156 = arith.constant 1 : i32
        %ge3A_157 = arith.cmpi sge, %add3A_53, %ge3A_156 : i32
        %convert_element_type3A_158 = arith.extui %ge3A_157 : i1 to i32
        %cond3A_159 = arith.constant 0 : i32
        %cond3A_160 = arith.cmpi ne, %convert_element_type3A_158, %cond3A_159 : i32
        scf.if %cond3A_160 {
          %sub3A = arith.constant 1 : i32
          %sub3A_161 = arith.subi %add3A_53, %sub3A : i32
          %mul3A_162 = arith.constant 80 : i32
          %mul3A_163 = arith.muli %sub3A_161, %mul3A_162 : i32
          %multiple_of3A_164 = tpu.assume_multiple %mul3A_163, 8 : i32
          %dma_wait3A_165 = tpu.memref_slice %arg5[%multiple_of3A_164] : memref<10000xi32, #tpu.memory_space<vmem>> -> memref<80xi32, #tpu.memory_space<vmem>>
          %dma_wait3A_166 = arith.constant 0 : i32
          %dma_wait3A_167 = arith.constant 0 : i32
          %dma_wait3A_168 = tpu.memref_slice %arg15[%dma_wait3A_166, %dma_wait3A_167] : memref<10112x128xf32, #tpu.memory_space<vmem_shared>> -> memref<10112x128xf32, #tpu.memory_space<vmem_shared>>
          tpu.wait_indirect_dma semaphore(%arg9 : memref<!tpu.dma_semaphore, #tpu.memory_space<semaphore_mem>>) src(%dma_wait3A_168 : memref<10112x128xf32, #tpu.memory_space<vmem_shared>>) dst(%arg6 : memref<80x128xf32, #tpu.memory_space<vmem>>)
          %sub3A_169 = arith.constant 1 : i32
          %sub3A_170 = arith.subi %add3A_53, %sub3A_169 : i32
          %mul3A_171 = arith.constant 80 : i32
          %mul3A_172 = arith.muli %sub3A_170, %mul3A_171 : i32
          %multiple_of3A_173 = tpu.assume_multiple %mul3A_172, 8 : i32
          %dma_start3A_174 = tpu.memref_slice %arg4[%multiple_of3A_173, %multiple_of3A_5] : memref<10000x4096xf32, #tpu.memory_space<hbm>> -> memref<80x128xf32, #tpu.memory_space<hbm>>
          %dma_start3A_175 = tpu.memref_slice %arg4[%multiple_of3A_173, %multiple_of3A_5] : memref<10000x4096xf32, #tpu.memory_space<hbm>> -> memref<80x128xf32, #tpu.memory_space<hbm>>
          tpu.enqueue_dma source(%arg6 : memref<80x128xf32, #tpu.memory_space<vmem>>) target(%dma_start3A_175 : memref<80x128xf32, #tpu.memory_space<hbm>>) target_semaphore(%arg12 : memref<!tpu.dma_semaphore, #tpu.memory_space<semaphore_mem>>)
        } else {
        }
      } else {
      }
      %mul3A_59 = arith.constant 3 : i32
      %mul3A_60 = arith.muli %scan3A_40, %mul3A_59 : i32
      %add3A_61 = arith.constant 2 : i32
      %add3A_62 = arith.addi %mul3A_60, %add3A_61 : i32
      %lt3A_63 = arith.constant 125 : i32
      %lt3A_64 = arith.cmpi slt, %add3A_62, %lt3A_63 : i32
      %convert_element_type3A_65 = arith.extui %lt3A_64 : i1 to i32
      %cond3A_66 = arith.constant 0 : i32
      %cond3A_67 = arith.cmpi ne, %convert_element_type3A_65, %cond3A_66 : i32
      scf.if %cond3A_67 {
        %ge3A = arith.constant 3 : i32
        %ge3A_68 = arith.cmpi sge, %add3A_62, %ge3A : i32
        %convert_element_type3A_69 = arith.extui %ge3A_68 : i1 to i32
        %cond3A_70 = arith.constant 0 : i32
        %cond3A_71 = arith.cmpi ne, %convert_element_type3A_69, %cond3A_70 : i32
        scf.if %cond3A_71 {
          %sub3A = arith.constant 3 : i32
          %sub3A_161 = arith.subi %add3A_62, %sub3A : i32
          %mul3A_162 = arith.constant 80 : i32
          %mul3A_163 = arith.muli %sub3A_161, %mul3A_162 : i32
          %multiple_of3A_164 = tpu.assume_multiple %mul3A_163, 8 : i32
          %dma_wait3A_165 = tpu.memref_slice %arg4[%multiple_of3A_164, %multiple_of3A_5] : memref<10000x4096xf32, #tpu.memory_space<hbm>> -> memref<80x128xf32, #tpu.memory_space<hbm>>
          %dma_wait3A_166 = tpu.memref_slice %arg4[%multiple_of3A_164, %multiple_of3A_5] : memref<10000x4096xf32, #tpu.memory_space<hbm>> -> memref<80x128xf32, #tpu.memory_space<hbm>>
          tpu.wait_dma2 semaphore(%arg14 : memref<!tpu.dma_semaphore, #tpu.memory_space<semaphore_mem>>) src(%arg8 : memref<80x128xf32, #tpu.memory_space<vmem>>) dst(%dma_wait3A_166 : memref<80x128xf32, #tpu.memory_space<hbm>>)
        } else {
        }
        %mul3A_72 = arith.constant 80 : i32
        %mul3A_73 = arith.muli %add3A_62, %mul3A_72 : i32
        %add3A_74 = arith.constant 0 : i32
        %add3A_75 = arith.addi %mul3A_73, %add3A_74 : i32
        %multiple_of3A_76 = tpu.assume_multiple %add3A_75, 8 : i32
        %get3A = arith.index_cast %multiple_of3A_76 : i32 to index
        %get3A_77 = tpu.vector_load %arg5[%get3A] {strides = array<i32>} : memref<10000xi32, #tpu.memory_space<vmem>>, vector<16xi32>,
        %get3A_78 = vector.shape_cast %get3A_77 : vector<16xi32> to vector<16xi32>
        %lt3A_79 = arith.constant 0 : i32
        %lt3A_80 = vector.broadcast %lt3A_79 : i32 to vector<16xi32>
        %lt3A_81 = arith.cmpi slt, %get3A_78, %lt3A_80 : vector<16xi32>
        %jit3A = arith.constant 10000 : i32
        %broadcast_in_dim3A = vector.broadcast %jit3A : i32 to vector<16xi32>
        %select_n3A = arith.select %lt3A_81, %broadcast_in_dim3A, %get3A_78 : vector<16xi1>, vector<16xi32>
        %swap3A = arith.index_cast %multiple_of3A_76 : i32 to index
        %swap3A_82 = tpu.vector_load %arg5[%swap3A] {strides = array<i32>} : memref<10000xi32, #tpu.memory_space<vmem>>, vector<16xi32>,
        %swap3A_83 = vector.shape_cast %swap3A_82 : vector<16xi32> to vector<16xi32>
        %swap3A_84 = vector.shape_cast %select_n3A : vector<16xi32> to vector<16xi32>
        tpu.vector_store %arg5[%swap3A], %swap3A_84 {strides = array<i32>} : memref<10000xi32, #tpu.memory_space<vmem>>, vector<16xi32>,
        %add3A_85 = arith.constant 16 : i32
        %add3A_86 = arith.addi %mul3A_73, %add3A_85 : i32
        %multiple_of3A_87 = tpu.assume_multiple %add3A_86, 8 : i32
        %get3A_88 = arith.index_cast %multiple_of3A_87 : i32 to index
        %get3A_89 = tpu.vector_load %arg5[%get3A_88] {strides = array<i32>} : memref<10000xi32, #tpu.memory_space<vmem>>, vector<16xi32>,
        %get3A_90 = vector.shape_cast %get3A_89 : vector<16xi32> to vector<16xi32>
        %lt3A_91 = arith.constant 0 : i32
        %lt3A_92 = vector.broadcast %lt3A_91 : i32 to vector<16xi32>
        %lt3A_93 = arith.cmpi slt, %get3A_90, %lt3A_92 : vector<16xi32>
        %jit3A_94 = arith.constant 10000 : i32
        %broadcast_in_dim3A_95 = vector.broadcast %jit3A_94 : i32 to vector<16xi32>
        %select_n3A_96 = arith.select %lt3A_93, %broadcast_in_dim3A_95, %get3A_90 : vector<16xi1>, vector<16xi32>
        %swap3A_97 = arith.index_cast %multiple_of3A_87 : i32 to index
        %swap3A_98 = tpu.vector_load %arg5[%swap3A_97] {strides = array<i32>} : memref<10000xi32, #tpu.memory_space<vmem>>, vector<16xi32>,
        %swap3A_99 = vector.shape_cast %swap3A_98 : vector<16xi32> to vector<16xi32>
        %swap3A_100 = vector.shape_cast %select_n3A_96 : vector<16xi32> to vector<16xi32>
        tpu.vector_store %arg5[%swap3A_97], %swap3A_100 {strides = array<i32>} : memref<10000xi32, #tpu.memory_space<vmem>>, vector<16xi32>,
        %add3A_101 = arith.constant 32 : i32
        %add3A_102 = arith.addi %mul3A_73, %add3A_101 : i32
        %multiple_of3A_103 = tpu.assume_multiple %add3A_102, 8 : i32
        %get3A_104 = arith.index_cast %multiple_of3A_103 : i32 to index
        %get3A_105 = tpu.vector_load %arg5[%get3A_104] {strides = array<i32>} : memref<10000xi32, #tpu.memory_space<vmem>>, vector<16xi32>,
        %get3A_106 = vector.shape_cast %get3A_105 : vector<16xi32> to vector<16xi32>
        %lt3A_107 = arith.constant 0 : i32
        %lt3A_108 = vector.broadcast %lt3A_107 : i32 to vector<16xi32>
        %lt3A_109 = arith.cmpi slt, %get3A_106, %lt3A_108 : vector<16xi32>
        %jit3A_110 = arith.constant 10000 : i32
        %broadcast_in_dim3A_111 = vector.broadcast %jit3A_110 : i32 to vector<16xi32>
        %select_n3A_112 = arith.select %lt3A_109, %broadcast_in_dim3A_111, %get3A_106 : vector<16xi1>, vector<16xi32>
        %swap3A_113 = arith.index_cast %multiple_of3A_103 : i32 to index
        %swap3A_114 = tpu.vector_load %arg5[%swap3A_113] {strides = array<i32>} : memref<10000xi32, #tpu.memory_space<vmem>>, vector<16xi32>,
        %swap3A_115 = vector.shape_cast %swap3A_114 : vector<16xi32> to vector<16xi32>
        %swap3A_116 = vector.shape_cast %select_n3A_112 : vector<16xi32> to vector<16xi32>
        tpu.vector_store %arg5[%swap3A_113], %swap3A_116 {strides = array<i32>} : memref<10000xi32, #tpu.memory_space<vmem>>, vector<16xi32>,
        %add3A_117 = arith.constant 48 : i32
        %add3A_118 = arith.addi %mul3A_73, %add3A_117 : i32
        %multiple_of3A_119 = tpu.assume_multiple %add3A_118, 8 : i32
        %get3A_120 = arith.index_cast %multiple_of3A_119 : i32 to index
        %get3A_121 = tpu.vector_load %arg5[%get3A_120] {strides = array<i32>} : memref<10000xi32, #tpu.memory_space<vmem>>, vector<16xi32>,
        %get3A_122 = vector.shape_cast %get3A_121 : vector<16xi32> to vector<16xi32>
        %lt3A_123 = arith.constant 0 : i32
        %lt3A_124 = vector.broadcast %lt3A_123 : i32 to vector<16xi32>
        %lt3A_125 = arith.cmpi slt, %get3A_122, %lt3A_124 : vector<16xi32>
        %jit3A_126 = arith.constant 10000 : i32
        %broadcast_in_dim3A_127 = vector.broadcast %jit3A_126 : i32 to vector<16xi32>
        %select_n3A_128 = arith.select %lt3A_125, %broadcast_in_dim3A_127, %get3A_122 : vector<16xi1>, vector<16xi32>
        %swap3A_129 = arith.index_cast %multiple_of3A_119 : i32 to index
        %swap3A_130 = tpu.vector_load %arg5[%swap3A_129] {strides = array<i32>} : memref<10000xi32, #tpu.memory_space<vmem>>, vector<16xi32>,
        %swap3A_131 = vector.shape_cast %swap3A_130 : vector<16xi32> to vector<16xi32>
        %swap3A_132 = vector.shape_cast %select_n3A_128 : vector<16xi32> to vector<16xi32>
        tpu.vector_store %arg5[%swap3A_129], %swap3A_132 {strides = array<i32>} : memref<10000xi32, #tpu.memory_space<vmem>>, vector<16xi32>,
        %add3A_133 = arith.constant 64 : i32
        %add3A_134 = arith.addi %mul3A_73, %add3A_133 : i32
        %multiple_of3A_135 = tpu.assume_multiple %add3A_134, 8 : i32
        %get3A_136 = arith.index_cast %multiple_of3A_135 : i32 to index
        %get3A_137 = tpu.vector_load %arg5[%get3A_136] {strides = array<i32>} : memref<10000xi32, #tpu.memory_space<vmem>>, vector<16xi32>,
        %get3A_138 = vector.shape_cast %get3A_137 : vector<16xi32> to vector<16xi32>
        %lt3A_139 = arith.constant 0 : i32
        %lt3A_140 = vector.broadcast %lt3A_139 : i32 to vector<16xi32>
        %lt3A_141 = arith.cmpi slt, %get3A_138, %lt3A_140 : vector<16xi32>
        %jit3A_142 = arith.constant 10000 : i32
        %broadcast_in_dim3A_143 = vector.broadcast %jit3A_142 : i32 to vector<16xi32>
        %select_n3A_144 = arith.select %lt3A_141, %broadcast_in_dim3A_143, %get3A_138 : vector<16xi1>, vector<16xi32>
        %swap3A_145 = arith.index_cast %multiple_of3A_135 : i32 to index
        %swap3A_146 = tpu.vector_load %arg5[%swap3A_145] {strides = array<i32>} : memref<10000xi32, #tpu.memory_space<vmem>>, vector<16xi32>,
        %swap3A_147 = vector.shape_cast %swap3A_146 : vector<16xi32> to vector<16xi32>
        %swap3A_148 = vector.shape_cast %select_n3A_144 : vector<16xi32> to vector<16xi32>
        tpu.vector_store %arg5[%swap3A_145], %swap3A_148 {strides = array<i32>} : memref<10000xi32, #tpu.memory_space<vmem>>, vector<16xi32>,
        %mul3A_149 = arith.constant 80 : i32
        %mul3A_150 = arith.muli %add3A_62, %mul3A_149 : i32
        %multiple_of3A_151 = tpu.assume_multiple %mul3A_150, 8 : i32
        %dma_start3A_152 = tpu.memref_slice %arg5[%multiple_of3A_151] : memref<10000xi32, #tpu.memory_space<vmem>> -> memref<80xi32, #tpu.memory_space<vmem>>
        %dma_start3A_153 = arith.constant 0 : i32
        %dma_start3A_154 = arith.constant 0 : i32
        %dma_start3A_155 = tpu.memref_slice %arg15[%dma_start3A_153, %dma_start3A_154] : memref<10112x128xf32, #tpu.memory_space<vmem_shared>> -> memref<10112x128xf32, #tpu.memory_space<vmem_shared>>
        tpu.enqueue_indirect_dma source(%dma_start3A_155 : memref<10112x128xf32, #tpu.memory_space<vmem_shared>>) target(%arg8 : memref<80x128xf32, #tpu.memory_space<vmem>>) offsets(%dma_start3A_152 : memref<80xi32, #tpu.memory_space<vmem>>) semaphore(%arg11 : memref<!tpu.dma_semaphore, #tpu.memory_space<semaphore_mem>>)
        %ge3A_156 = arith.constant 1 : i32
        %ge3A_157 = arith.cmpi sge, %add3A_62, %ge3A_156 : i32
        %convert_element_type3A_158 = arith.extui %ge3A_157 : i1 to i32
        %cond3A_159 = arith.constant 0 : i32
        %cond3A_160 = arith.cmpi ne, %convert_element_type3A_158, %cond3A_159 : i32
        scf.if %cond3A_160 {
          %sub3A = arith.constant 1 : i32
          %sub3A_161 = arith.subi %add3A_62, %sub3A : i32
          %mul3A_162 = arith.constant 80 : i32
          %mul3A_163 = arith.muli %sub3A_161, %mul3A_162 : i32
          %multiple_of3A_164 = tpu.assume_multiple %mul3A_163, 8 : i32
          %dma_wait3A_165 = tpu.memref_slice %arg5[%multiple_of3A_164] : memref<10000xi32, #tpu.memory_space<vmem>> -> memref<80xi32, #tpu.memory_space<vmem>>
          %dma_wait3A_166 = arith.constant 0 : i32
          %dma_wait3A_167 = arith.constant 0 : i32
          %dma_wait3A_168 = tpu.memref_slice %arg15[%dma_wait3A_166, %dma_wait3A_167] : memref<10112x128xf32, #tpu.memory_space<vmem_shared>> -> memref<10112x128xf32, #tpu.memory_space<vmem_shared>>
          tpu.wait_indirect_dma semaphore(%arg10 : memref<!tpu.dma_semaphore, #tpu.memory_space<semaphore_mem>>) src(%dma_wait3A_168 : memref<10112x128xf32, #tpu.memory_space<vmem_shared>>) dst(%arg7 : memref<80x128xf32, #tpu.memory_space<vmem>>)
          %sub3A_169 = arith.constant 1 : i32
          %sub3A_170 = arith.subi %add3A_62, %sub3A_169 : i32
          %mul3A_171 = arith.constant 80 : i32
          %mul3A_172 = arith.muli %sub3A_170, %mul3A_171 : i32
          %multiple_of3A_173 = tpu.assume_multiple %mul3A_172, 8 : i32
          %dma_start3A_174 = tpu.memref_slice %arg4[%multiple_of3A_173, %multiple_of3A_5] : memref<10000x4096xf32, #tpu.memory_space<hbm>> -> memref<80x128xf32, #tpu.memory_space<hbm>>
          %dma_start3A_175 = tpu.memref_slice %arg4[%multiple_of3A_173, %multiple_of3A_5] : memref<10000x4096xf32, #tpu.memory_space<hbm>> -> memref<80x128xf32, #tpu.memory_space<hbm>>
          tpu.enqueue_dma source(%arg7 : memref<80x128xf32, #tpu.memory_space<vmem>>) target(%dma_start3A_175 : memref<80x128xf32, #tpu.memory_space<hbm>>) target_semaphore(%arg13 : memref<!tpu.dma_semaphore, #tpu.memory_space<semaphore_mem>>)
        } else {
        }
      } else {
      }
    }
    %scan3A_19 = arith.constant 42 : i32
    %multiple_of3A_20 = arith.constant 9920 : i32
    %multiple_of3A_21 = tpu.assume_multiple %multiple_of3A_20, 8 : i32
    %dma_wait3A = tpu.memref_slice %arg5[%multiple_of3A_21] : memref<10000xi32, #tpu.memory_space<vmem>> -> memref<80xi32, #tpu.memory_space<vmem>>
    %dma_wait3A_22 = arith.constant 0 : i32
    %dma_wait3A_23 = arith.constant 0 : i32
    %dma_wait3A_24 = tpu.memref_slice %arg15[%dma_wait3A_22, %dma_wait3A_23] : memref<10112x128xf32, #tpu.memory_space<vmem_shared>> -> memref<10112x128xf32, #tpu.memory_space<vmem_shared>>
    tpu.wait_indirect_dma semaphore(%arg10 : memref<!tpu.dma_semaphore, #tpu.memory_space<semaphore_mem>>) src(%dma_wait3A_24 : memref<10112x128xf32, #tpu.memory_space<vmem_shared>>) dst(%arg7 : memref<80x128xf32, #tpu.memory_space<vmem>>)
    %multiple_of3A_25 = arith.constant 9920 : i32
    %multiple_of3A_26 = tpu.assume_multiple %multiple_of3A_25, 8 : i32
    %dma_start3A = tpu.memref_slice %arg4[%multiple_of3A_26, %multiple_of3A_5] : memref<10000x4096xf32, #tpu.memory_space<hbm>> -> memref<80x128xf32, #tpu.memory_space<hbm>>
    %dma_start3A_27 = tpu.memref_slice %arg4[%multiple_of3A_26, %multiple_of3A_5] : memref<10000x4096xf32, #tpu.memory_space<hbm>> -> memref<80x128xf32, #tpu.memory_space<hbm>>
    tpu.enqueue_dma source(%arg7 : memref<80x128xf32, #tpu.memory_space<vmem>>) target(%dma_start3A_27 : memref<80x128xf32, #tpu.memory_space<hbm>>) target_semaphore(%arg13 : memref<!tpu.dma_semaphore, #tpu.memory_space<semaphore_mem>>)
    %multiple_of3A_28 = arith.constant 9760 : i32
    %multiple_of3A_29 = tpu.assume_multiple %multiple_of3A_28, 8 : i32
    %dma_wait3A_30 = tpu.memref_slice %arg4[%multiple_of3A_29, %multiple_of3A_5] : memref<10000x4096xf32, #tpu.memory_space<hbm>> -> memref<80x128xf32, #tpu.memory_space<hbm>>
    %dma_wait3A_31 = tpu.memref_slice %arg4[%multiple_of3A_29, %multiple_of3A_5] : memref<10000x4096xf32, #tpu.memory_space<hbm>> -> memref<80x128xf32, #tpu.memory_space<hbm>>
    tpu.wait_dma2 semaphore(%arg14 : memref<!tpu.dma_semaphore, #tpu.memory_space<semaphore_mem>>) src(%arg8 : memref<80x128xf32, #tpu.memory_space<vmem>>) dst(%dma_wait3A_31 : memref<80x128xf32, #tpu.memory_space<hbm>>)
    %multiple_of3A_32 = arith.constant 9840 : i32
    %multiple_of3A_33 = tpu.assume_multiple %multiple_of3A_32, 8 : i32
    %dma_wait3A_34 = tpu.memref_slice %arg4[%multiple_of3A_33, %multiple_of3A_5] : memref<10000x4096xf32, #tpu.memory_space<hbm>> -> memref<80x128xf32, #tpu.memory_space<hbm>>
    %dma_wait3A_35 = tpu.memref_slice %arg4[%multiple_of3A_33, %multiple_of3A_5] : memref<10000x4096xf32, #tpu.memory_space<hbm>> -> memref<80x128xf32, #tpu.memory_space<hbm>>
    tpu.wait_dma2 semaphore(%arg12 : memref<!tpu.dma_semaphore, #tpu.memory_space<semaphore_mem>>) src(%arg6 : memref<80x128xf32, #tpu.memory_space<vmem>>) dst(%dma_wait3A_35 : memref<80x128xf32, #tpu.memory_space<hbm>>)
    %multiple_of3A_36 = arith.constant 9920 : i32
    %multiple_of3A_37 = tpu.assume_multiple %multiple_of3A_36, 8 : i32
    %dma_wait3A_38 = tpu.memref_slice %arg4[%multiple_of3A_37, %multiple_of3A_5] : memref<10000x4096xf32, #tpu.memory_space<hbm>> -> memref<80x128xf32, #tpu.memory_space<hbm>>
    %dma_wait3A_39 = tpu.memref_slice %arg4[%multiple_of3A_37, %multiple_of3A_5] : memref<10000x4096xf32, #tpu.memory_space<hbm>> -> memref<80x128xf32, #tpu.memory_space<hbm>>
    tpu.wait_dma2 semaphore(%arg13 : memref<!tpu.dma_semaphore, #tpu.memory_space<semaphore_mem>>) src(%arg7 : memref<80x128xf32, #tpu.memory_space<vmem>>) dst(%dma_wait3A_39 : memref<80x128xf32, #tpu.memory_space<hbm>>)
    return
  }
}

</mosaic_0001>

<sc_bundles>
// kernel: kernel.3.cloned.1.call-start
scs
__scs_entry_jumppad:
0x0: {  	(pc) =	sbr.rel $0x88, $3  }
0x1: {  	(tag) =	ssettag $0x0;
	lr =	simm.s32 $0x1  }
0x2: {  	[smem:$0x3F9F] =	sst lr;
	_ =	strace $0xD0000000  }
0x3: {  	_ = 	snop  }
0x4: {  	_ = 	snop  }
0x5: {  	_ = 	snop  }
0x6: {  	_ = 	snop  }
0x7: {  	_ = 	snop  }
__scs_overlays_trampoline_lowered:
0x8: {  	[smem:$0x3FAE] =	sst s0  }
0x9: {  	[smem:$0x3FAF] =	sst s1  }
0xa: {  	[smem:$0x3FB0] =	sst s2  }
0xb: {  	[smem:$0x3FB1] =	sst s3  }
0xc: {  	[smem:$0x3FB2] =	sst s4  }
0xd: {  	[smem:$0x3FB3] =	sst s5  }
0xe: {  	[smem:$0x3FB4] =	sst s6  }
0xf: {  	[smem:$0x3FB5] =	sst s7  }
0x10: {  	[smem:$0x3FB6] =	sst s8  }
0x11: {  	[smem:$0x3FB7] =	sst s9;
	s0 =	simm.s32 @!p0 $0x0  }
0x12: {  	s1 =	sld [smem:$0x3F9D];
	s0 =	simm.s32 @p0 $0x1  }
0x13: {  	[smem:$0x3FB8] =	sst s0;
	s0 =	simm.s32 @!p1 $0x0  }
0x14: {  	s2 =	sld [smem:$0x3F9C];
	s0 =	simm.s32 @p1 $0x1  }
0x15: {  	[smem:$0x3FB9] =	sst s0;
	s0 =	simm.s32 @!p2 $0x0  }
0x16: {  	s3 =	sld [smem:$0x3FDB];
	s0 =	simm.s32 @p2 $0x1  }
0x17: {  	s4 =	simm.s32 $0x1BF5;
	[smem:$0x3FBB] =	sst s0  }
0x18: {  	s0 =	sld [smem:$0x3F9E];
	_ =	swait.ge [sflag:s4], $0x0  }
0x19: {  	s7 =	sld [smem:$0x3F9F]  }
0x1a: {  	s8 =	sadd.s32 $0xFFFFE003, lr  }
0x1b: {  	s9 =	sadd.s32 $0xFFFFFEF7, lr;
	s5 =	simm.s32 $0xFFFFFFFF;
	p2 =	slt.u32 s8, $0xFFFFF086  }
0x1c: {  	p1 =	slt.u32 s9, $0xF7A;
	s5 =	simm.s32 @!p2 $0x0  }
0x1d: {  	s5 =	simm.s32 @p1 $0x1;
	p0 =	seq.s32 s7, s2  }
0x1e: {  	s7 =	smul.u32 @!p0 $0xF7A, s2;
	p2 =	seq.s32 @!p0 s5, $0x0  }
0x1f: {  	s9 =	smul.u32 $0xF7A, s1;
	s8 =	simm.s32 @!p0 $0x1BF5;
	p2 =	por !p2, p0  }
0x20: {  	[sflag:s8] =	ssyncset.s32 @!p0 $0xFFFFF086;
	s6 =	sadd.s32 @!p0 s3, s7;
	s7 =	simm.s32 @!p0 $0x108  }
0x21: {  	s3 =	sadd.s32 s3, s9;
	s6 =	sadd.s32 @!p0 $0x88, s6;
	s7 =	simm.s32 @p2 $0x1082  }
0x22: {  	[simem:s7], [sflag:s8] =	dma.local @!p0 [hbm:s6], $0xF7A  }
0x23: {  	s9 =	sor.u32 $0xD0000000, s2;
	s6 =	simm.s32 $0x108;
	_ =	swait.ge @!p0 [sflag:s8], $0x0  }
0x24: {  	s3 =	sadd.s32 $0x88, s3;
	s6 =	simm.s32 @!p1 $0x1082;
	[sflag:s4] =	ssyncset.s32 $0xFFFFF086  }
0x25: {  	[simem:s6], [sflag:s4] =	dma.local [hbm:s3], $0xF7A  }
0x26: {  	[smem:$0x3F9F] =	sst s1;
	(tag) =	ssettag s2;
	_ =	strace s9  }
0x27: {  	s1 =	sld [smem:$0x3FAF]  }
0x28: {  	s2 =	sld [smem:$0x3FB0]  }
0x29: {  	s4 =	sld [smem:$0x3FB2]  }
0x2a: {  	p0 =	seq.s32 s5, $0x0;
	s5 =	sld [smem:$0x3FB3]  }
0x2b: {  	s6 =	sld [smem:$0x3FB4]  }
0x2c: {  	s7 =	sld [smem:$0x3FB5]  }
0x2d: {  	s3 =	simm.s32 $0x108;
	s8 =	sld [smem:$0x3FB6]  }
0x2e: {  	s3 =	simm.s32 @!p0 $0x1082;
	s9 =	sld [smem:$0x3FB7]  }
0x2f: {  	lr =	sadd.s32 s0, s3;
	s0 =	sld [smem:$0x3FAE]  }
0x30: {  	s3 =	sld [smem:$0x3FB1]  }
0x31: {  	[smem:$0x3FBA] =	sst s10  }
0x32: {  	s10 =	sld [smem:$0x3FB8];
	_ =	sdelay $0x3  }
0x33: {  	p0 =	seq.s32 s10, $0x1;
	s10 =	sld [smem:$0x3FBA];
	_ =	sdelay $0x3  }
0x34: {  	[smem:$0x3FBA] =	sst s10  }
0x35: {  	s10 =	sld [smem:$0x3FB9];
	_ =	sdelay $0x3  }
0x36: {  	p1 =	seq.s32 s10, $0x1;
	s10 =	sld [smem:$0x3FBA];
	_ =	sdelay $0x3  }
0x37: {  	[smem:$0x3FBA] =	sst s10  }
0x38: {  	s10 =	sld [smem:$0x3FBB]  }
0x39: {  	_ = 	snop;
	(pc) =	sbr.ind lr, $3  }
0x3a: {  	_ = 	snop  }
0x3b: {  	_ = 	snop  }
0x3c: {  	p2 =	seq.s32 s10, $0x1;
	s10 =	sld [smem:$0x3FBA]  }
0x3d: {  	_ =	shalt  }
0x3e: {  	_ =	shalt  }
0x3f: {  	_ =	shalt  }
0x40: {  	_ =	shalt  }
0x41: {  	_ =	shalt  }
0x42: {  	_ =	shalt  }
0x43: {  	_ =	shalt  }
0x44: {  	_ =	shalt  }
0x45: {  	_ =	shalt  }
0x46: {  	_ =	shalt  }
0x47: {  	_ =	shalt  }
0x48: {  	_ =	shalt  }
0x49: {  	_ =	shalt  }
0x4a: {  	_ =	shalt  }
0x4b: {  	_ =	shalt  }
0x4c: {  	_ =	shalt  }
0x4d: {  	_ =	shalt  }
0x4e: {  	_ =	shalt  }
0x4f: {  	_ =	shalt  }
0x50: {  	_ =	shalt  }
0x51: {  	_ =	shalt  }
0x52: {  	_ =	shalt  }
0x53: {  	_ =	shalt  }
0x54: {  	_ =	shalt  }
0x55: {  	_ =	shalt  }
0x56: {  	_ =	shalt  }
0x57: {  	_ =	shalt  }
0x58: {  	_ =	shalt  }
0x59: {  	_ =	shalt  }
0x5a: {  	_ =	shalt  }
0x5b: {  	_ =	shalt  }
0x5c: {  	_ =	shalt  }
0x5d: {  	_ =	shalt  }
0x5e: {  	_ =	shalt  }
0x5f: {  	_ =	shalt  }
0x60: {  	_ =	shalt  }
0x61: {  	_ =	shalt  }
0x62: {  	_ =	shalt  }
0x63: {  	_ =	shalt  }
0x64: {  	_ =	shalt  }
0x65: {  	_ =	shalt  }
0x66: {  	_ =	shalt  }
0x67: {  	_ =	shalt  }
0x68: {  	_ =	shalt  }
0x69: {  	_ =	shalt  }
0x6a: {  	_ =	shalt  }
0x6b: {  	_ =	shalt  }
0x6c: {  	_ =	shalt  }
0x6d: {  	_ =	shalt  }
0x6e: {  	_ =	shalt  }
0x6f: {  	_ =	shalt  }
0x70: {  	_ =	shalt  }
0x71: {  	_ =	shalt  }
0x72: {  	_ =	shalt  }
0x73: {  	_ =	shalt  }
0x74: {  	_ =	shalt  }
0x75: {  	_ =	shalt  }
0x76: {  	_ =	shalt  }
0x77: {  	_ =	shalt  }
0x78: {  	_ =	shalt  }
0x79: {  	_ =	shalt  }
0x7a: {  	_ =	shalt  }
0x7b: {  	_ =	shalt  }
0x7c: {  	_ =	shalt  }
0x7d: {  	_ =	shalt  }
0x7e: {  	_ =	shalt  }
0x7f: {  	_ =	shalt  }
0x80: {  	_ =	shalt  }
0x81: {  	_ =	shalt  }
0x82: {  	_ =	shalt  }
0x83: {  	_ =	shalt  }
0x84: {  	_ =	shalt  }
0x85: {  	_ =	shalt  }
0x86: {  	_ =	shalt  }
0x87: {  	_ =	shalt  }
.Lfunc_end0:
.L_simem_size_0:
called_computation_lowered:
.L_overlay_start_0:
0x88: {  	s2 =	sld [smem:$0x3FD9]  }
0x89: {  	s3 =	sld [smem:$0x3FFE];
	_ =	sdelay $0x1  }
0x8a: {  	s1 =	srdreg.scid  }
0x8b: {  	s0 =	sand.u32 $0x1, s1  }
0x8c: {  	s17 =	sshll.u32 s0, $0xA;
	s2 =	sadd.s32 s3, s2  }
0x8d: {  	s2 =	sadd.s32 s2, s17  }
0x8e: {  	[smem:$0x3FC6] =	sst s2  }
0x8f: {  	_ = 	snop  }
0x90: {  	s2 =	sld [smem:$0x3FC9]  }
0x91: {  	s18 =	sld [smem:$0x3FD0];
	(tm) =	ssettm $0x1  }
0x92: {  	s4 =	sld [smem:$0x3FFB];
	_ =	sdelay $0x3  }
0x93: {  	_ =	strace s4  }
0x94: {  	s4 =	sld [smem:$0x3FFC];
	_ =	sdelay $0x3  }
0x95: {  	_ =	strace s4  }
0x96: {  	s4 =	sld [smem:$0x3FFD];
	_ =	sdelay $0x3  }
0x97: {  	_ =	strace s4  }
0x98: {  	_ =	strace $0x8FFFFFFF  }
0x99: {  	s19 =	sld [smem:$0x3FDB];
	_ =	sdelay $0x1  }
0x9a: {  	s5 =	simm.s32 $_scs_section_size  }
0x9b: {  	s6 =	simm.s32 $_size__tile_overlayer_lowered;
	s7 =	simm.s32 $_tile_overlayer_lowered  }
0x9c: {  	s22 =	simm.s32 $0x1BFF;
	s21 =	sshll.u32 s7, $0x1;
	s4 =	sadd.s32 s5, s19  }
0x9d: {  	s8 =	simm.s32 $0x0;
	s20 =	sshll.u32 s6, $0x1;
	s6 =	sadd.s32 s21, s4  }
0x9e: {  	[timem:s8], [sflag:s22] =	dma.local [hbm:s6], s20  }
0x9f: {  	_ =	swait.ge [sflag:s22], s20  }
0xa0: {  	s5 =	ssub.s32 $0x0, s20;
	[sflag:s22] =	ssyncset.done $0x0  }
0xa1: {  	[sflag:s22] =	ssyncadd.s32 s5;
	_ =	sdelay $0x1  }
0xa2: {  	s23 =	simm.s32 $0x1B8B  }
0xa3: {  	_ =	swait.ge [sflag:s23], $0x1  }
0xa4: {  	[sflag:s23] =	ssyncset.done $0x0  }
0xa5: {  	s25 =	simm.s32 $0x1B8E;
	s24 =	sld [smem:$0x3FFE];
	[sflag:s23] =	ssyncadd.s32 $0xFFFFFFFF  }
0xa6: {  	s26 =	simm.s32 $execute0_lowered;
	[smem:$0x3FD2] =	sst s25  }
0xa7: {  	s6 =	sshll.u32 s26, $0x1;
	_ =	strace $0x80000046;
	[dreg:$0x1] =	wrdreg $0xFFFFFFFF  }
0xa8: {  	s28 =	simm.s32 $_size_execute0_lowered;
	s4 =	sadd.s32 s4, s6;
	[dreg:$0x0] =	wrdreg $0x0  }
0xa9: {  	s6 =	sshll.u32 s28, $0x1;
	[dreg:$0x2] =	wrdreg s4  }
0xaa: {  	[dreg:$0x3] =	wrdreg s6  }
0xab: {  	[dreg:$0x4] =	wrdreg $0xC0  }
0xac: {  	_ =	task [dreg:s8], $0x5FFFF  }
0xad: {  	[dreg:$0x1] =	wrdreg $0xFFFFFFFF  }
0xae: {  	[dreg:$0x0] =	wrdreg $0x60  }
0xaf: {  	[dreg:$0x2] =	wrdreg s2  }
0xb0: {  	[dreg:$0x3] =	wrdreg s24  }
0xb1: {  	[dreg:$0x4] =	wrdreg s18  }
0xb2: {  	[dreg:$0x5] =	wrdreg $0x9F800  }
0xb3: {  	[dreg:$0x6] =	wrdreg $0x9  }
0xb4: {  	_ =	task.clear_ibuf [dreg:s8], $0x7FFFF;
	_ =	strace $0x90000046  }
0xb5: {  	s29 =	simm.s32 $0x9;
	_ =	strace $0x80000048  }
0xb6: {  	_ =	swait.ge [sflag:s29], $0x1  }
0xb7: {  	[sflag:s29] =	ssyncadd.s32 $0xFFFFFFFF  }
0xb8: {  	_ =	strace $0x90000048  }
0xb9: {  	_ =	sfence  }
0xba: {  	s30 =	sld [smem:$0x0];
	_ =	sdelay $0x2  }
0xbb: {  	s31 =	sshll.u32 s1, $0xD;
	s1 =	sshrl.u32 s1, $0x2  }
0xbc: {  	s3 =	sand.u32 $0x4000, s31;
	s1 =	sadd.s32 s1, s30  }
0xbd: {  	s0 =	sor.u32 s3, s0;
	s1 =	sshll.u32 s1, $0x11  }
0xbe: {  	s0 =	sor.u32 s1, s0  }
0xbf: {  	s0 =	sadd.s32 $0x8F2B, s0  }
0xc0: {  	[sflag:s0] =	ssyncadd.remote.s32 $0x1  }
0xc1: {  	_ =	sfence.sel $0xFFFF  }
0xc2: {  	[dreg:$0x0] =	wrdreg $0xFFFFFFFF;
	(pc) =	sbr.abs _section_cstart, $3  }
0xc3: {  	[dreg:$0x1] =	wrdreg $0xFFFFFFFF  }
0xc4: {  	_ =	task.clear_ibuf [dreg:s8], $0x2FFFF;
	_ =	strace $0x9FFFFFFF  }
0xc5: {  	(tm) =	ssettm $0x7FFFFFFF  }
tec
execute0_lowered:
.L_overlay_start_1:
0x0: {  	(tag) =	ssettag $0x1  }
0x1: {  	s0 =	rddreg [dreg:$0x0]  }
0x2: {  	s1 =	rddreg [dreg:$0x1]  }
0x3: {  	s2 =	rddreg [dreg:$0x2]  }
0x4: {  	s3 =	rddreg [dreg:$0x3]  }
0x5: {  	s5 =	srdreg.scid;
	s15 =	stileid.u32  }
0x6: {  	s4 =	simm.s32 $0x0;
	s16 =	simm.s32 $0x2780;
	s17 =	simm.s32 $0x50  }
0x7: {  	s18 =	simm.s32 $0x1;
	s19 =	simm.s32 $0x4F80;
	s20 =	simm.s32 $0x400  }
0x8: {  	s21 =	simm.s32 $0x8000;
	s28 =	simm.s32 $0x5;
	s23 =	smul.u32 $0x4F000, s15  }
0x9: {  	s9 =	sand.u32 $0x1, s5;
	[smem:$0x7FF] =	sst s4;
	s11 =	smul.u32 $0x2780, s15  }
0xa: {  	s22 =	sshll.u32 s15, $0x1;
	s13 =	sadd.s32 $0x128400, s3;
	s25 =	sadd.s32 $0x138800, s3  }
0xb: {  	s29 =	sshll.u32 s15, $0xB;
	p0 =	seq.s32 s15, $0xF;
	s15 =	simm.s32 $0x7  }
0xc: {  	s10 =	sor.u32 s9, s22;
	_ =	strace $0x80000047;
	s7 =	ssub.s32 $0x2, s9  }
0xd: {  	[dreg:$0x7] =	wrdreg s25;
	s30 =	sshll.u32 s9, $0xA;
	s13 =	sshrl.u32 s13, $0x3  }
0xe: {  	s22 =	simm.s32 $0x7780;
	s6 =	smul.u32 $0x4E2, s10;
	s8 =	sshrl.u32 s7, $0x1  }
0xf: {  	s5 =	sshrl.u32 s23, $0x2;
	s24 =	sadd.s32 s0, s11;
	s0 =	sadd.s32 $0x25080, s0  }
0x10: {  	s26 =	sshll.u32 s10, $0x7;
	s9 =	sshll.u32 s10, $0xA;
	s31 =	sor.u32 s30, s29  }
.Ltmp0:
0x11: {  	s23 =	simm.s32 $0x2;
	[dreg:$0x5] =	wrdreg s24;
	(pc) =	sbr.rel .LBB2_1-.Ltmp0, $4  }
0x12: {  	s12 =	ssub.s32 s7, s8;
	s14 =	sadd.s32 s5, s3;
	[dreg:$0x6] =	wrdreg s0  }
0x13: {  	s0 =	sadd.s32 s26, s2;
	s24 =	simm.s32 $0x6;
	s26 =	simm.s32 $0x4  }
0x14: {  	s1 =	sadd.s32 s6, s1;
	s10 =	sadd.s32 $0x4D8000, s0;
	s11 =	smax.u32 s12, $0x1  }
0x15: {  	v0 =	vimm.f32 $0.0e+00;
	s12 =	sor.u32 $0xFFFB0000, s31;
	s25 =	sshrl.u32 s14, $0x3;
	s8 =	sadd.s32 $0x400, s1  }
.LBB2_9:
0x16: {  	_ =	swait.ge [sflag:s23], $0x2800  }
0x17: {  	[sflag:s23] =	ssyncset.done $0x0  }
0x18: {  	[sflag:s23] =	ssyncadd.s32 $0xFFFFD800  }
0x19: {  	[hbm4b:s10+s20] =	stream.strided.scatter [tilespmem:s19], [sflag:$0x5], $0x2800, s21, s20, $0x38;
	[tilespmem:$0x1DB80] =	vst v63  }
0x1a: {  	_ =	swait.ge [sflag:s24], $0x2800  }
0x1b: {  	[sflag:s24] =	ssyncset.done $0x0  }
0x1c: {  	s4 =	sadd.s32 $0x1, s4;
	[sflag:s24] =	ssyncadd.s32 $0xFFFFD800  }
0x1d: {  	p1 =	sne.s32 s4, s11;
	_ =	swait.ge [sflag:s26], $0x2800  }
.Ltmp1:
0x1e: {  	[sflag:s26] =	ssyncset.done $0x0;
	(pc) =	sbr.rel @!p1 .LBB2_10-.Ltmp1, $4  }
0x1f: {  	[sflag:s26] =	ssyncadd.s32 $0xFFFFD800  }
0x20: {  	_ =	swait.ge [sflag:s28], $0x2800  }
0x21: {  	[sflag:s28] =	ssyncset.done $0x0  }
0x22: {  	[sflag:s28] =	ssyncadd.s32 $0xFFFFD800  }
.LBB2_1:
.Ltmp2:
0x23: {  	(pc) =	sbr.rel @!p0 .LBB2_2-.Ltmp2, $1  }
0x24: {  	_ =	sdelay $0x3  }
0x25: {  	s0 =	rddreg [dreg:$0x6];
	s1 =	simm.s32 $0x1FC7  }
0x26: {  	[spmem:s13], [sflag:s1] =	dma.local [hbm:s0], $0x2080  }
0x27: {  	_ =	swait.ge [sflag:s15], $0x2080  }
0x28: {  	[sflag:s15] =	ssyncset.done $0x0  }
0x29: {  	[sflag:s15] =	ssyncadd.s32 $0xFFFFDF80  }
0x2a: {  	[tilespmem:$0x2780] =	vst v0  }
0x2b: {  	[tilespmem:$0x2790] =	vst v0  }
0x2c: {  	[tilespmem:$0x27A0] =	vst v0  }
0x2d: {  	[tilespmem:$0x27B0] =	vst v0  }
0x2e: {  	[tilespmem:$0x27C0] =	vst v0  }
0x2f: {  	[tilespmem:$0x27D0] =	vst v0  }
0x30: {  	[tilespmem:$0x27E0] =	vst v0  }
0x31: {  	[tilespmem:$0x27F0] =	vst v0  }
0x32: {  	[tilespmem:$0x2800] =	vst v0  }
0x33: {  	[tilespmem:$0x2810] =	vst v0  }
0x34: {  	[tilespmem:$0x2820] =	vst v0  }
0x35: {  	[tilespmem:$0x2830] =	vst v0  }
0x36: {  	[tilespmem:$0x2840] =	vst v0  }
0x37: {  	[tilespmem:$0x2850] =	vst v0  }
0x38: {  	[tilespmem:$0x2860] =	vst v0  }
0x39: {  	[tilespmem:$0x2870] =	vst v0  }
0x3a: {  	[tilespmem:$0x2880] =	vst v0  }
0x3b: {  	[tilespmem:$0x2890] =	vst v0  }
0x3c: {  	[tilespmem:$0x28A0] =	vst v0  }
0x3d: {  	[tilespmem:$0x28B0] =	vst v0  }
0x3e: {  	[tilespmem:$0x28C0] =	vst v0  }
0x3f: {  	[tilespmem:$0x28D0] =	vst v0  }
0x40: {  	[tilespmem:$0x28E0] =	vst v0  }
0x41: {  	[tilespmem:$0x28F0] =	vst v0  }
0x42: {  	[tilespmem:$0x2900] =	vst v0  }
0x43: {  	[tilespmem:$0x2910] =	vst v0  }
0x44: {  	[tilespmem:$0x2920] =	vst v0  }
0x45: {  	[tilespmem:$0x2930] =	vst v0  }
0x46: {  	[tilespmem:$0x2940] =	vst v0  }
0x47: {  	[tilespmem:$0x2950] =	vst v0  }
0x48: {  	[tilespmem:$0x2960] =	vst v0  }
0x49: {  	[tilespmem:$0x2970] =	vst v0  }
0x4a: {  	[tilespmem:$0x2980] =	vst v0  }
0x4b: {  	[tilespmem:$0x2990] =	vst v0  }
0x4c: {  	[tilespmem:$0x29A0] =	vst v0  }
0x4d: {  	[tilespmem:$0x29B0] =	vst v0  }
0x4e: {  	[tilespmem:$0x29C0] =	vst v0  }
0x4f: {  	[tilespmem:$0x29D0] =	vst v0  }
0x50: {  	[tilespmem:$0x29E0] =	vst v0  }
0x51: {  	[tilespmem:$0x29F0] =	vst v0  }
0x52: {  	[tilespmem:$0x2A00] =	vst v0  }
0x53: {  	[tilespmem:$0x2A10] =	vst v0  }
0x54: {  	[tilespmem:$0x2A20] =	vst v0  }
0x55: {  	[tilespmem:$0x2A30] =	vst v0  }
0x56: {  	[tilespmem:$0x2A40] =	vst v0  }
0x57: {  	[tilespmem:$0x2A50] =	vst v0  }
0x58: {  	[tilespmem:$0x2A60] =	vst v0  }
0x59: {  	[tilespmem:$0x2A70] =	vst v0  }
0x5a: {  	[tilespmem:$0x2A80] =	vst v0  }
0x5b: {  	[tilespmem:$0x2A90] =	vst v0  }
0x5c: {  	[tilespmem:$0x2AA0] =	vst v0  }
0x5d: {  	[tilespmem:$0x2AB0] =	vst v0  }
0x5e: {  	[tilespmem:$0x2AC0] =	vst v0  }
0x5f: {  	[tilespmem:$0x2AD0] =	vst v0  }
0x60: {  	[tilespmem:$0x2AE0] =	vst v0  }
0x61: {  	[tilespmem:$0x2AF0] =	vst v0  }
0x62: {  	[tilespmem:$0x2B00] =	vst v0  }
0x63: {  	[tilespmem:$0x2B10] =	vst v0  }
0x64: {  	[tilespmem:$0x2B20] =	vst v0  }
0x65: {  	[tilespmem:$0x2B30] =	vst v0  }
0x66: {  	[tilespmem:$0x2B40] =	vst v0  }
0x67: {  	[tilespmem:$0x2B50] =	vst v0  }
0x68: {  	[tilespmem:$0x2B60] =	vst v0  }
.Ltmp3:
0x69: {  	s31 =	rddreg [dreg:$0x7];
	[tilespmem:$0x2B70] =	vst v0;
	(pc) =	sbr.rel .LBB2_4-.Ltmp3, $4  }
0x6a: {  	[spmem:s31] =	stream.linear.scatter [tilespmem:s16], [sflag:$0x7], $0x400, $0x38;
	[tilespmem:$0x1DB80] =	vst v63  }
0x6b: {  	_ =	swait.ge [sflag:s15], $0x400  }
0x6c: {  	[sflag:s15] =	ssyncset.done $0x0  }
0x6d: {  	[sflag:s15] =	ssyncadd.s32 $0xFFFFFC00  }
.LBB2_2:
0x6e: {  	s0 =	stileid.u32  }
0x6f: {  	s0 =	sshll.u32 s0, $0x6  }
0x70: {  	s1 =	rddreg [dreg:$0x5];
	s0 =	sor.u32 $0x1C07, s0  }
0x71: {  	[spmem:s25], [sflag:s0] =	dma.local [hbm:s1], $0x2780  }
0x72: {  	_ =	swait.ge [sflag:s15], $0x2780  }
0x73: {  	[sflag:s15] =	ssyncset.done $0x0  }
0x74: {  	[sflag:s15] =	ssyncadd.s32 $0xFFFFD880  }
.LBB2_4:
0x75: {  	s29 =	simm.s32 $0x0  }
0x76: {  	[tilespmem:s29], [sflag:$0x7] =	stream.linear.gather [hbm4b:s8+s29], $0x2710, $0x38;
	[tilespmem:$0x1DB80] =	vst v63  }
.Ltmp4:
0x77: {  	_ =	swait.ge [sflag:s15], $0x2710;
	(pc) =	sbr.rel .LBB2_5-.Ltmp4, $4  }
0x78: {  	[sflag:s15] =	ssyncset.done $0x0  }
0x79: {  	[sflag:s15] =	ssyncadd.s32 $0xFFFFD8F0  }
0x7a: {  	[bflag:$0x0] =	sbarrier.arrive $0xFFFF  }
0x7b: {  	s1 =	simm.s32 $0x1;
	s31 =	smov.u32 s12;
	s0 =	simm.s32 $0x0  }
.LBB2_8:
0x7c: {  	v1 =	vld [tilespmem:s14+$0xA0]  }
0x7d: {  	v2 =	vld [tilespmem:s14+$0xB0]  }
0x7e: {  	v3 =	vld [tilespmem:s14+$0xC0]  }
0x7f: {  	v4 =	vld [tilespmem:s14+$0xD0]  }
0x80: {  	v5 =	vld [tilespmem:s14+$0xE0]  }
0x81: {  	vm0 =	vlt.s32 v1, $0x0  }
0x82: {  	vm12 =	vlt.s32 v2, $0x0;
	v1 =	vsel vm0, $0x2710, v1  }
0x83: {  	vm13 =	vlt.s32 v3, $0x0;
	[tilespmem:s14+$0xA0] =	vst v1;
	v1 =	vsel vm12, $0x2710, v2  }
0x84: {  	vm14 =	vlt.s32 v4, $0x0;
	[tilespmem:s14+$0xB0] =	vst v1;
	v1 =	vsel vm13, $0x2710, v3  }
0x85: {  	vm15 =	vlt.s32 v5, $0x0;
	[tilespmem:s14+$0xC0] =	vst v1;
	v1 =	vsel vm14, $0x2710, v4  }
0x86: {  	s29 =	sadd.s32 $0x3C0, s29;
	[tilespmem:s14+$0xD0] =	vst v1;
	v1 =	vsel vm15, $0x2710, v5  }
0x87: {  	s5 =	sadd.s32 $0xA0, s14;
	s6 =	smul.u32 $0x50000, s30;
	p1 =	sne.s32 s29, $0x9D80;
	[tilespmem:s14+$0xE0] =	vst v1  }
0x88: {  	[tilespmem:s22], [sflag:$0x3] =	stream.indirect.gather [spmem:s3], $0x80, s5, s17, $0xb8;
	[tilespmem:$0x1DB80] =	vst v63  }
.Ltmp5:
0x89: {  	_ = 	snop;
	(pc) =	sbr.rel @!p1 .LBB2_9-.Ltmp5, $4  }
0x8a: {  	s0 =	sadd.s32 $0x1, s0;
	s30 =	sor.u32 s9, s6;
	_ =	swait.ge [sflag:s23], $0x2800  }
0x8b: {  	s1 =	sadd.s32 $0x3, s1;
	s5 =	sshrl.u32 s30, $0x3;
	[sflag:s23] =	ssyncset.done $0x0  }
0x8c: {  	s31 =	sadd.s32 $0xF0000, s31;
	s5 =	sadd.s32 s2, s5;
	[sflag:s23] =	ssyncadd.s32 $0xFFFFD800  }
0x8d: {  	[hbm4b:s5+s20] =	stream.strided.scatter [tilespmem:s19], [sflag:$0x5], $0x2800, s21, s20, $0x38;
	[tilespmem:$0x1DB80] =	vst v63  }
.LBB2_5:
0x8e: {  	p1 =	seq.s32 s29, $0x0  }
0x8f: {  	s14 =	simm.s32 @!p1 $0x4  }
0x90: {  	_ =	swait.ge @!p1 [sflag:s14], $0x2800  }
0x91: {  	[sflag:s14] =	ssyncset.done @!p1 $0x0  }
0x92: {  	[sflag:s14] =	ssyncadd.s32 @!p1 $0xFFFFD800;
	s14 =	sshra.s32 s29, $0x2  }
0x93: {  	v1 =	vld [tilespmem:s14+$0x0]  }
0x94: {  	v2 =	vld [tilespmem:s14+$0x10]  }
0x95: {  	v3 =	vld [tilespmem:s14+$0x20]  }
0x96: {  	v4 =	vld [tilespmem:s14+$0x30]  }
0x97: {  	v5 =	vld [tilespmem:s14+$0x40]  }
0x98: {  	vm0 =	vlt.s32 v1, $0x0  }
0x99: {  	vm7 =	vlt.s32 v2, $0x0;
	v1 =	vsel vm0, $0x2710, v1  }
0x9a: {  	vm8 =	vlt.s32 v3, $0x0;
	[tilespmem:s14+$0x0] =	vst v1;
	v1 =	vsel vm7, $0x2710, v2  }
0x9b: {  	vm9 =	vlt.s32 v4, $0x0;
	[tilespmem:s14+$0x10] =	vst v1;
	v1 =	vsel vm8, $0x2710, v3  }
0x9c: {  	vm10 =	vlt.s32 v5, $0x0;
	[tilespmem:s14+$0x20] =	vst v1;
	v1 =	vsel vm9, $0x2710, v4  }
0x9d: {  	[tilespmem:s14+$0x30] =	vst v1;
	v1 =	vsel vm10, $0x2710, v5  }
0x9e: {  	s30 =	simm.s32 @!p1 $0x3;
	[tilespmem:s14+$0x40] =	vst v1  }
0x9f: {  	[tilespmem:s16], [sflag:$0x1] =	stream.indirect.gather [spmem:s3], $0x80, s14, s17, $0xb8;
	[tilespmem:$0x1DB80] =	vst v63  }
0xa0: {  	s5 =	sshrl.u32 @!p1 s31, $0x3;
	_ =	swait.ge @!p1 [sflag:s30], $0x2800  }
0xa1: {  	s6 =	simm.s32 @!p1 $0x8000;
	s7 =	simm.s32 @!p1 $0x7780;
	[sflag:s30] =	ssyncset.done @!p1 $0x0  }
0xa2: {  	s5 =	sadd.s32 @!p1 s2, s5;
	[sflag:s30] =	ssyncadd.s32 @!p1 $0xFFFFD800;
	s30 =	simm.s32 @!p1 $0x400  }
0xa3: {  	[hbm4b:s5+s30] =	stream.strided.scatter @!p1 [tilespmem:s7], [sflag:$0x6], $0x2800, s6, s30, $0x38;
	[tilespmem:$0x1DB80] =	vst v63  }
0xa4: {  	s30 =	smov.u32 s1  }
0xa5: {  	s5 =	simm.s32 @!p1 $0x5;
	s30 =	simm.s32 @p1 $0x1  }
0xa6: {  	_ =	swait.ge @!p1 [sflag:s5], $0x2800;
	s7 =	smul.u32 $0x140, s30  }
0xa7: {  	[sflag:s5] =	ssyncset.done @!p1 $0x0  }
0xa8: {  	[sflag:s5] =	ssyncadd.s32 @!p1 $0xFFFFD800;
	s7 =	sshra.s32 s7, $0x2  }
0xa9: {  	v1 =	vld [tilespmem:s7+$0x0]  }
0xaa: {  	v2 =	vld [tilespmem:s7+$0x10]  }
0xab: {  	v3 =	vld [tilespmem:s7+$0x20]  }
0xac: {  	v62 =	vld [tilespmem:s7+$0x30]  }
0xad: {  	v63 =	vld [tilespmem:s7+$0x40]  }
0xae: {  	vm11 =	vlt.s32 v1, $0x0  }
0xaf: {  	vm12 =	vlt.s32 v2, $0x0;
	v1 =	vsel vm11, $0x2710, v1  }
0xb0: {  	vm13 =	vlt.s32 v3, $0x0;
	[tilespmem:s7+$0x0] =	vst v1;
	v1 =	vsel vm12, $0x2710, v2  }
0xb1: {  	vm14 =	vlt.s32 v62, $0x0;
	[tilespmem:s7+$0x10] =	vst v1;
	v1 =	vsel vm13, $0x2710, v3  }
0xb2: {  	vm15 =	vlt.s32 v63, $0x0;
	[tilespmem:s7+$0x20] =	vst v1;
	v1 =	vsel vm14, $0x2710, v62  }
0xb3: {  	s6 =	sadd.s32 @!p1 $0x50000, s31;
	[tilespmem:s7+$0x30] =	vst v1;
	v1 =	vsel vm15, $0x2710, v63  }
0xb4: {  	s6 =	smov.u32 @p1 s9;
	p1 =	seq.s32 s0, $0x0;
	[tilespmem:s7+$0x40] =	vst v1  }
0xb5: {  	[tilespmem:s19], [sflag:$0x2] =	stream.indirect.gather [spmem:s3], $0x80, s7, s17, $0xb8;
	[tilespmem:$0x1DB80] =	vst v63  }
.Ltmp6:
0xb6: {  	_ = 	snop;
	(pc) =	sbr.rel @p1 .LBB2_8-.Ltmp6, $4  }
0xb7: {  	_ =	swait.ge [sflag:s18], $0x2800  }
0xb8: {  	s7 =	sshrl.u32 s6, $0x3;
	[sflag:s18] =	ssyncset.done $0x0  }
0xb9: {  	s5 =	sadd.s32 s2, s7;
	[sflag:s18] =	ssyncadd.s32 $0xFFFFD800  }
0xba: {  	[hbm4b:s5+s20] =	stream.strided.scatter [tilespmem:s16], [sflag:$0x4], $0x2800, s21, s20, $0x38;
	[tilespmem:$0x1DB80] =	vst v63  }
0xbb: {  	p1 =	seq.s32 s0, $0x29  }
.Ltmp7:
0xbc: {  	_ = 	snop;
	(pc) =	sbr.rel @p1 .LBB2_9-.Ltmp7, $1  }
0xbd: {  	_ =	sdelay $0x3  }
.Ltmp8:
0xbe: {  	(pc) =	sbr.rel .LBB2_8-.Ltmp8, $4  }
0xbf: {  	_ = 	snop  }
0xc0: {  	_ =	swait.ge [sflag:s24], $0x2800  }
0xc1: {  	[sflag:s24] =	ssyncset.done $0x0  }
0xc2: {  	[sflag:s24] =	ssyncadd.s32 $0xFFFFD800  }
.LBB2_10:
0xc3: {  	_ =	sfence.sel $0x180000  }
0xc4: {  	[bflag:$0x0] =	sbarrier.arrive $0xFFFF  }
0xc5: {  	_ =	strace $0x90000047  }
0xc6: {  	s0 =	stileid.u32;
	[bflag:$0x2] =	sbarrier.arrive $0xFFFF  }
0xc7: {  	p0 =	sne.s32 s0, $0x0;
	s0 =	rddreg [dreg:$0x4]  }
0xc8: {  	s0 =	sadd.s32 @!p0 $0x100000, s0  }
0xc9: {  	[sflag:s0] =	ssyncadd.tile.s32 @!p0 $0x1;
	_ =	shalt  }
.Lfunc_end2:
_tile_overlayer_lowered:
.L_overlay_start_2:
0xca: {  	(tag) =	ssettag $0x2  }
0xcb: {  	s0 =	rddreg [dreg:$0x0];
	s2 =	stileid.u32  }
0xcc: {  	s1 =	rddreg [dreg:$0x1];
	p0 =	sne.s32 s2, $0x0  }
0xcd: {  	s3 =	rddreg [dreg:$0x2];
	[bflag:$0x3] =	sbarrier.arrive $0xFFFF;
	s2 =	simm.s32 @!p0 $0x1C07  }
0xce: {  	[timem:s3], [sflag:s2] =	dma.local @!p0 [hbm:s0], s1  }
0xcf: {  	s0 =	simm.s32 @!p0 $0x7  }
0xd0: {  	_ =	swait.ge @!p0 [sflag:s0], s1  }
0xd1: {  	s1 =	ssub.s32 @!p0 $0x0, s1;
	[sflag:s0] =	ssyncset.done @!p0 $0x0  }
0xd2: {  	[sflag:s0] =	ssyncadd.s32 @!p0 s1  }
0xd3: {  	[bflag:$0x3] =	sbarrier.arrive $0xFFFF  }
0xd4: {  	_ =	shalt  }

</sc_bundles>
